<compile_context>
chip_gen: v7x
topology: tpu7x:2x2x1
jax: 0.10.2.dev20260603
libtpu: 0.0.44.dev20260713+nightly
codegen_flags: <defaults>
</compile_context>

<pallas_src>
import functools

import jax
import jax.numpy as jnp
from jax import lax
from jax.experimental import pallas as pl
from jax.experimental.pallas import tpu as pltpu
from jax.experimental.pallas import tpu_sc as plsc

V = 64
D = 16
LANES = 16


def _make_sc_histogram(B, L):
    info = plsc.get_sparse_core_info()
    NC, NS = info.num_cores, info.num_subcores
    NW = NC * NS
    half_rows_w = (B // 2) // NW
    chunkb = min(half_rows_w, 128)
    n_chunks = half_rows_w // chunkb
    subb = chunkb // 2
    n_groups = subb // LANES

    mesh = plsc.VectorSubcoreMesh(core_axis_name="c", subcore_axis_name="s")

    @functools.partial(
        pl.kernel,
        mesh=mesh,
        compiler_params=pltpu.CompilerParams(needs_layout_passes=False),
        out_type=jax.ShapeDtypeStruct(((B // 2) * 2 * V,), jnp.float32),
        scratch_types=[
            pltpu.VMEM((L, chunkb), jnp.int32),
            pltpu.VMEM((L, chunkb), jnp.int32),
            pltpu.VMEM((L, chunkb), jnp.int32),
            pltpu.VMEM((L, chunkb), jnp.int32),
            pltpu.VMEM((subb * 2 * V,), jnp.float32),
            pltpu.VMEM((subb * 2 * V,), jnp.float32),
            pltpu.SemaphoreType.DMA,
            pltpu.SemaphoreType.DMA,
            pltpu.SemaphoreType.DMA,
            pltpu.SemaphoreType.DMA,
        ],
    )
    def hist(xt_hbm, out_hbm, xa0, xa1, xb0, xb1, cbuf0, cbuf1,
             in0, in1, out0, out1):
        wid = lax.axis_index("s") * NC + lax.axis_index("c")
        base2 = wid * half_rows_w
        zeros16 = jnp.zeros((LANES,), jnp.float32)
        ones16 = jnp.full((LANES,), 1.0, jnp.float32)
        row_step = lax.iota(jnp.int32, LANES) * (2 * V)
        xabufs = (xa0, xa1)
        xbbufs = (xb0, xb1)
        cbufs = (cbuf0, cbuf1)
        in_sems = (in0, in1)
        out_sems = (out0, out1)

        def start_in(c):
            col0 = base2 + c * chunkb
            sem = in_sems[c % 2]
            return [
                pltpu.async_copy(
                    xt_hbm.at[:, pl.ds(col0, chunkb)], xabufs[c % 2], sem),
                pltpu.async_copy(
                    xt_hbm.at[:, pl.ds(col0 + B // 2, chunkb)],
                    xbbufs[c % 2], sem),
            ]

        def start_out(s, sl):
            row0 = base2 + s * subb
            return pltpu.async_copy(
                cbufs[sl],
                out_hbm.at[pl.ds(row0 * 2 * V, subb * 2 * V)],
                out_sems[sl])

        pending_in = [start_in(0)]
        pending_out = [None, None]
        n_per_chunk = chunkb // subb
        n_subs = n_chunks * n_per_chunk
        zvecs = subb * 2 * V // LANES
        n_iters = L // 4
        zper = zvecs // n_iters
        ztail = zvecs - zper * n_iters

        @plsc.parallel_loop(0, zvecs, 1, unroll=8)
        def zero_body(r):
            cbuf0[pl.ds(r * LANES, LANES)] = zeros16
            cbuf1[pl.ds(r * LANES, LANES)] = zeros16

        for s in range(n_subs):
            c, sub = divmod(s, n_per_chunk)
            sl = s % 2
            if sub == 0:
                for h in pending_in[c]:
                    h.wait()
                if c + 1 < n_chunks:
                    pending_in.append(start_in(c + 1))
            zb = None
            if s >= 1 and s + 1 < n_subs:
                osl = sl ^ 1
                if pending_out[osl] is not None:
                    pending_out[osl].wait()
                    pending_out[osl] = None
                zb = cbufs[osl]
            xa = xabufs[c % 2]
            xb = xbbufs[c % 2]
            cb = cbufs[sl]

            def l_body(li, carry):
                work = []
                for u in range(4):
                    l = li * 4 + u
                    for p, xp in ((0, xa), (1, xb)):
                        for g in range(n_groups):
                            win = cb.at[pl.ds(
                                g * LANES * 2 * V + p * V,
                                (LANES - 1) * 2 * V + V)]
                            tok = xp[l, pl.ds(sub * subb + g * LANES,
                                              LANES)]
                            work.append((win, tok))
                idxs = [row_step + tok for _, tok in work]
                if zb is not None:
                    for z in range(zper):
                        zb[pl.ds((li * zper + z) * LANES, LANES)] = zeros16
                for (win, _), idx in zip(work, idxs):
                    plsc.addupdate_scatter(win, [idx], ones16)
                return carry

            lax.fori_loop(0, n_iters, l_body, 0)
            if zb is not None:
                for z in range(ztail):
                    zb[pl.ds((zper * n_iters + z) * LANES, LANES)] = zeros16
            pending_out[sl] = start_out(s, sl)
        for p in pending_out:
            if p is not None:
                p.wait()

    return hist


def _tc_head_body(inv_l, counts_ref, emb_ref, w_ref, b_ref, out_ref):
    m2 = lax.dot_general(emb_ref[...], w_ref[...],
                         (((1,), (1,)), ((), ())),
                         preferred_element_type=jnp.float32) * inv_l
    h = pl.program_id(0)
    m2s = jnp.concatenate([m2, m2], axis=0)
    rid = lax.broadcasted_iota(jnp.int32, (2 * V, V), 0)
    m2h = jnp.where((rid // V) == h, m2s, 0.0)
    out_ref[...] = lax.dot_general(m2h, counts_ref[...],
                                   (((0,), (1,)), ((), ())),
                                   preferred_element_type=jnp.float32) + b_ref[...]


def _tc_head(counts2, emb, W, bcol, L):
    Bh = counts2.shape[0]
    tb = min(Bh, 8192)
    nb = Bh // tb
    return pl.pallas_call(
        functools.partial(_tc_head_body, 1.0 / L),
        grid=(2, nb),
        in_specs=[
            pl.BlockSpec((tb, 2 * V), lambda h, j: (j, 0)),
            pl.BlockSpec((V, D), lambda h, j: (0, 0)),
            pl.BlockSpec((V, D), lambda h, j: (0, 0)),
            pl.BlockSpec((V, 1), lambda h, j: (0, 0)),
        ],
        out_specs=pl.BlockSpec((V, tb), lambda h, j: (0, h * nb + j)),
        out_shape=jax.ShapeDtypeStruct((V, 2 * Bh), jnp.float32),
    )(counts2, emb, W, bcol)


def kernel(x, emb, W, b):
    B, L = x.shape
    x = x.astype(jnp.int32)
    counts2 = _make_sc_histogram(B, L)(x.T).reshape(B // 2, 2 * V)
    out_t = _tc_head(counts2, emb, W, b.reshape(V, 1), L)
    return out_t.T

# --- scband reference (transcript-rebuilt; emitter-appended) ---
"""Pipeline reference for scband-tiny-llm-51393578664268 (READ-ONLY COPY).

The authoritative reference and input builder live on the scoring server;
editing this copy changes nothing except your own understanding.
"""

import jax, jax.numpy as jnp
import numpy as np


def setup_inputs(seed: int = 0) -> dict:
    key = jax.random.key(seed)
    k1, k2, k3, k4 = jax.random.split(key, 4)
    x = jax.random.randint(k1, (16384, 200), 0, 64, dtype=jnp.int64)
    # Embedding table: nn.Embedding(64, 16)
    emb = jax.random.normal(k2, (64, 16), dtype=jnp.float32)
    # Linear head: nn.Linear(16, 64) -> weight [64, 16], bias [64]
    W = jax.random.normal(k3, (64, 16), dtype=jnp.float32) * (1.0 / np.sqrt(16))
    b = jax.random.normal(k4, (64,), dtype=jnp.float32) * 0.01
    return {"x": x, "emb": emb, "W": W, "b": b}


def reference(x, emb, W, b):
    # gather: embedding lookup -> [B, L, 16]
    e = jnp.take(emb, x, axis=0)
    # mean over sequence dim -> [B, 16]
    h = jnp.mean(e, axis=1)
    # linear head -> [B, 64]
    out = h @ W.T + b
    return out

if __name__ == "__main__":
    import jax
    _d = setup_inputs()
    print(jax.jit(kernel)(*tuple(_d.values())))

</pallas_src>

<mosaic_0001>
#map = affine_map<(d0, d1) -> (0, 0)>
#map1 = affine_map<(d0, d1) -> (0)>
module attributes {stable_mosaic.version = 14 : i64} {
  func.func @hist(%arg0: i32, %arg1: i32, %arg2: memref<200x16384xi32, #tpu.memory_space<hbm>>, %arg3: memref<1048576xf32, #tpu.memory_space<hbm>>, %arg4: memref<200x128xi32, #tpu.memory_space<vmem>>, %arg5: memref<200x128xi32, #tpu.memory_space<vmem>>, %arg6: memref<200x128xi32, #tpu.memory_space<vmem>>, %arg7: memref<200x128xi32, #tpu.memory_space<vmem>>, %arg8: memref<8192xf32, #tpu.memory_space<vmem>>, %arg9: memref<8192xf32, #tpu.memory_space<vmem>>, %arg10: memref<!tpu.dma_semaphore, #tpu.memory_space<semaphore_mem>>, %arg11: memref<!tpu.dma_semaphore, #tpu.memory_space<semaphore_mem>>, %arg12: memref<!tpu.dma_semaphore, #tpu.memory_space<semaphore_mem>>, %arg13: memref<!tpu.dma_semaphore, #tpu.memory_space<semaphore_mem>>) attributes {dimension_semantics = [#tpu.dimension_semantics<core_parallel>, #tpu.dimension_semantics<subcore_parallel>], iteration_bounds = array<i64: 2, 16>, scalar_prefetch = 0 : i64, scratch_operands = 10 : i64, tpu.core_type = #tpu.core_type<sc_vector_subcore>, window_params = [{transform_indices = #map}, {transform_indices = #map1}]} {
    %mul3A = arith.constant 2 : i32
    %mul3A_0 = arith.muli %arg1, %mul3A : i32
    %add3A = arith.addi %mul3A_0, %arg0 : i32
    %mul3A_1 = arith.constant 256 : i32
    %mul3A_2 = arith.muli %add3A, %mul3A_1 : i32
    %broadcast_in_dim3A = arith.constant 0.000000e+00 : f32
    %broadcast_in_dim3A_3 = vector.broadcast %broadcast_in_dim3A : f32 to vector<16xf32>
    %broadcast_in_dim3A_4 = arith.constant 1.000000e+00 : f32
    %broadcast_in_dim3A_5 = vector.broadcast %broadcast_in_dim3A_4 : f32 to vector<16xf32>
    %iota3A = tpu.iota {dimensions = array<i32: 0>} : vector<16xi32>
    %mul3A_6 = arith.constant 128 : i32
    %mul3A_7 = vector.broadcast %mul3A_6 : i32 to vector<16xi32>
    %mul3A_8 = arith.muli %iota3A, %mul3A_7 : vector<16xi32>
    %add3A_9 = arith.constant 0 : i32
    %add3A_10 = arith.addi %mul3A_2, %add3A_9 : i32
    %dma_start3A = arith.constant 0 : i32
    %dma_start3A_11 = tpu.memref_slice %arg2[%dma_start3A, %add3A_10] : memref<200x16384xi32, #tpu.memory_space<hbm>> -> memref<200x128xi32, #tpu.memory_space<hbm>>
    %dma_start3A_12 = arith.constant 0 : i32
    %dma_start3A_13 = tpu.memref_slice %arg2[%dma_start3A_12, %add3A_10] : memref<200x16384xi32, #tpu.memory_space<hbm>> -> memref<200x128xi32, #tpu.memory_space<hbm>>
    tpu.enqueue_dma source(%dma_start3A_13 : memref<200x128xi32, #tpu.memory_space<hbm>>) target(%arg4 : memref<200x128xi32, #tpu.memory_space<vmem>>) target_semaphore(%arg10 : memref<!tpu.dma_semaphore, #tpu.memory_space<semaphore_mem>>)
    %add3A_14 = arith.constant 8192 : i32
    %add3A_15 = arith.addi %add3A_10, %add3A_14 : i32
    %dma_start3A_16 = arith.constant 0 : i32
    %dma_start3A_17 = tpu.memref_slice %arg2[%dma_start3A_16, %add3A_15] : memref<200x16384xi32, #tpu.memory_space<hbm>> -> memref<200x128xi32, #tpu.memory_space<hbm>>
    %dma_start3A_18 = arith.constant 0 : i32
    %dma_start3A_19 = tpu.memref_slice %arg2[%dma_start3A_18, %add3A_15] : memref<200x16384xi32, #tpu.memory_space<hbm>> -> memref<200x128xi32, #tpu.memory_space<hbm>>
    tpu.enqueue_dma source(%dma_start3A_19 : memref<200x128xi32, #tpu.memory_space<hbm>>) target(%arg6 : memref<200x128xi32, #tpu.memory_space<vmem>>) target_semaphore(%arg10 : memref<!tpu.dma_semaphore, #tpu.memory_space<semaphore_mem>>)
    %parallel_loop3A = arith.constant 0 : i32
    %parallel_loop3A_20 = arith.constant 512 : i32
    %parallel_loop3A_21 = arith.constant 1 : i32
    scf.for %parallel_loop3A_159 = %parallel_loop3A to %parallel_loop3A_20 step %parallel_loop3A_21  : i32 {
      %parallel_loop3A_160 = arith.constant 16 : i32
      %parallel_loop3A_161 = arith.muli %parallel_loop3A_159, %parallel_loop3A_160 : i32
      %parallel_loop3A_162 = arith.index_cast %parallel_loop3A_161 : i32 to index
      %parallel_loop3A_163 = tpu.vector_load %arg8[%parallel_loop3A_162] {strides = array<i32>} : memref<8192xf32, #tpu.memory_space<vmem>>, vector<16xf32>,
      tpu.vector_store %arg8[%parallel_loop3A_162], %broadcast_in_dim3A_3 {strides = array<i32>} : memref<8192xf32, #tpu.memory_space<vmem>>, vector<16xf32>,
      %parallel_loop3A_164 = arith.constant 16 : i32
      %parallel_loop3A_165 = arith.muli %parallel_loop3A_159, %parallel_loop3A_164 : i32
      %parallel_loop3A_166 = arith.index_cast %parallel_loop3A_165 : i32 to index
      %parallel_loop3A_167 = tpu.vector_load %arg9[%parallel_loop3A_166] {strides = array<i32>} : memref<8192xf32, #tpu.memory_space<vmem>>, vector<16xf32>,
      tpu.vector_store %arg9[%parallel_loop3A_166], %broadcast_in_dim3A_3 {strides = array<i32>} : memref<8192xf32, #tpu.memory_space<vmem>>, vector<16xf32>,
    } {sc.loop_unroll_factor = 8 : i64, sc.parallel_access}
    %dma_wait3A = arith.constant 0 : i32
    %dma_wait3A_22 = tpu.memref_slice %arg2[%dma_wait3A, %add3A_10] : memref<200x16384xi32, #tpu.memory_space<hbm>> -> memref<200x128xi32, #tpu.memory_space<hbm>>
    %dma_wait3A_23 = arith.constant 0 : i32
    %dma_wait3A_24 = tpu.memref_slice %arg2[%dma_wait3A_23, %add3A_10] : memref<200x16384xi32, #tpu.memory_space<hbm>> -> memref<200x128xi32, #tpu.memory_space<hbm>>
    tpu.wait_dma2 semaphore(%arg10 : memref<!tpu.dma_semaphore, #tpu.memory_space<semaphore_mem>>) src(%dma_wait3A_24 : memref<200x128xi32, #tpu.memory_space<hbm>>) dst(%arg4 : memref<200x128xi32, #tpu.memory_space<vmem>>)
    %dma_wait3A_25 = arith.constant 0 : i32
    %dma_wait3A_26 = tpu.memref_slice %arg2[%dma_wait3A_25, %add3A_15] : memref<200x16384xi32, #tpu.memory_space<hbm>> -> memref<200x128xi32, #tpu.memory_space<hbm>>
    %dma_wait3A_27 = arith.constant 0 : i32
    %dma_wait3A_28 = tpu.memref_slice %arg2[%dma_wait3A_27, %add3A_15] : memref<200x16384xi32, #tpu.memory_space<hbm>> -> memref<200x128xi32, #tpu.memory_space<hbm>>
    tpu.wait_dma2 semaphore(%arg10 : memref<!tpu.dma_semaphore, #tpu.memory_space<semaphore_mem>>) src(%dma_wait3A_28 : memref<200x128xi32, #tpu.memory_space<hbm>>) dst(%arg6 : memref<200x128xi32, #tpu.memory_space<vmem>>)
    %add3A_29 = arith.constant 128 : i32
    %add3A_30 = arith.addi %mul3A_2, %add3A_29 : i32
    %dma_start3A_31 = arith.constant 0 : i32
    %dma_start3A_32 = tpu.memref_slice %arg2[%dma_start3A_31, %add3A_30] : memref<200x16384xi32, #tpu.memory_space<hbm>> -> memref<200x128xi32, #tpu.memory_space<hbm>>
    %dma_start3A_33 = arith.constant 0 : i32
    %dma_start3A_34 = tpu.memref_slice %arg2[%dma_start3A_33, %add3A_30] : memref<200x16384xi32, #tpu.memory_space<hbm>> -> memref<200x128xi32, #tpu.memory_space<hbm>>
    tpu.enqueue_dma source(%dma_start3A_34 : memref<200x128xi32, #tpu.memory_space<hbm>>) target(%arg5 : memref<200x128xi32, #tpu.memory_space<vmem>>) target_semaphore(%arg11 : memref<!tpu.dma_semaphore, #tpu.memory_space<semaphore_mem>>)
    %add3A_35 = arith.constant 8192 : i32
    %add3A_36 = arith.addi %add3A_30, %add3A_35 : i32
    %dma_start3A_37 = arith.constant 0 : i32
    %dma_start3A_38 = tpu.memref_slice %arg2[%dma_start3A_37, %add3A_36] : memref<200x16384xi32, #tpu.memory_space<hbm>> -> memref<200x128xi32, #tpu.memory_space<hbm>>
    %dma_start3A_39 = arith.constant 0 : i32
    %dma_start3A_40 = tpu.memref_slice %arg2[%dma_start3A_39, %add3A_36] : memref<200x16384xi32, #tpu.memory_space<hbm>> -> memref<200x128xi32, #tpu.memory_space<hbm>>
    tpu.enqueue_dma source(%dma_start3A_40 : memref<200x128xi32, #tpu.memory_space<hbm>>) target(%arg7 : memref<200x128xi32, #tpu.memory_space<vmem>>) target_semaphore(%arg11 : memref<!tpu.dma_semaphore, #tpu.memory_space<semaphore_mem>>)
    %scan3A = arith.constant 0 : i32
    %scan3A_41 = arith.constant 0 : i32
    %scan3A_42 = arith.constant 50 : i32
    %scan3A_43 = arith.addi %scan3A_41, %scan3A_42 : i32
    %scan3A_44 = arith.constant 1 : i32
    scf.for %scan3A_159 = %scan3A_41 to %scan3A_43 step %scan3A_44  : i32 {
      %mul3A_160 = arith.constant 4 : i32
      %mul3A_161 = arith.muli %scan3A_159, %mul3A_160 : i32
      %add3A_162 = arith.constant 0 : i32
      %add3A_163 = arith.addi %mul3A_161, %add3A_162 : i32
      %get3A = arith.index_cast %add3A_163 : i32 to index
      %get3A_164 = arith.constant 0 : index
      %get3A_165 = tpu.vector_load %arg4[%get3A, %get3A_164] {strides = array<i32>} : memref<200x128xi32, #tpu.memory_space<vmem>>, vector<16xi32>,
      %get3A_166 = arith.index_cast %add3A_163 : i32 to index
      %get3A_167 = arith.constant 16 : index
      %get3A_168 = tpu.vector_load %arg4[%get3A_166, %get3A_167] {strides = array<i32>} : memref<200x128xi32, #tpu.memory_space<vmem>>, vector<16xi32>,
      %get3A_169 = arith.index_cast %add3A_163 : i32 to index
      %get3A_170 = arith.constant 32 : index
      %get3A_171 = tpu.vector_load %arg4[%get3A_169, %get3A_170] {strides = array<i32>} : memref<200x128xi32, #tpu.memory_space<vmem>>, vector<16xi32>,
      %get3A_172 = arith.index_cast %add3A_163 : i32 to index
      %get3A_173 = arith.constant 48 : index
      %get3A_174 = tpu.vector_load %arg4[%get3A_172, %get3A_173] {strides = array<i32>} : memref<200x128xi32, #tpu.memory_space<vmem>>, vector<16xi32>,
      %get3A_175 = arith.index_cast %add3A_163 : i32 to index
      %get3A_176 = arith.constant 0 : index
      %get3A_177 = tpu.vector_load %arg6[%get3A_175, %get3A_176] {strides = array<i32>} : memref<200x128xi32, #tpu.memory_space<vmem>>, vector<16xi32>,
      %get3A_178 = arith.index_cast %add3A_163 : i32 to index
      %get3A_179 = arith.constant 16 : index
      %get3A_180 = tpu.vector_load %arg6[%get3A_178, %get3A_179] {strides = array<i32>} : memref<200x128xi32, #tpu.memory_space<vmem>>, vector<16xi32>,
      %get3A_181 = arith.index_cast %add3A_163 : i32 to index
      %get3A_182 = arith.constant 32 : index
      %get3A_183 = tpu.vector_load %arg6[%get3A_181, %get3A_182] {strides = array<i32>} : memref<200x128xi32, #tpu.memory_space<vmem>>, vector<16xi32>,
      %get3A_184 = arith.index_cast %add3A_163 : i32 to index
      %get3A_185 = arith.constant 48 : index
      %get3A_186 = tpu.vector_load %arg6[%get3A_184, %get3A_185] {strides = array<i32>} : memref<200x128xi32, #tpu.memory_space<vmem>>, vector<16xi32>,
      %mul3A_187 = arith.constant 4 : i32
      %mul3A_188 = arith.muli %scan3A_159, %mul3A_187 : i32
      %add3A_189 = arith.constant 1 : i32
      %add3A_190 = arith.addi %mul3A_188, %add3A_189 : i32
      %get3A_191 = arith.index_cast %add3A_190 : i32 to index
      %get3A_192 = arith.constant 0 : index
      %get3A_193 = tpu.vector_load %arg4[%get3A_191, %get3A_192] {strides = array<i32>} : memref<200x128xi32, #tpu.memory_space<vmem>>, vector<16xi32>,
      %get3A_194 = arith.index_cast %add3A_190 : i32 to index
      %get3A_195 = arith.constant 16 : index
      %get3A_196 = tpu.vector_load %arg4[%get3A_194, %get3A_195] {strides = array<i32>} : memref<200x128xi32, #tpu.memory_space<vmem>>, vector<16xi32>,
      %get3A_197 = arith.index_cast %add3A_190 : i32 to index
      %get3A_198 = arith.constant 32 : index
      %get3A_199 = tpu.vector_load %arg4[%get3A_197, %get3A_198] {strides = array<i32>} : memref<200x128xi32, #tpu.memory_space<vmem>>, vector<16xi32>,
      %get3A_200 = arith.index_cast %add3A_190 : i32 to index
      %get3A_201 = arith.constant 48 : index
      %get3A_202 = tpu.vector_load %arg4[%get3A_200, %get3A_201] {strides = array<i32>} : memref<200x128xi32, #tpu.memory_space<vmem>>, vector<16xi32>,
      %get3A_203 = arith.index_cast %add3A_190 : i32 to index
      %get3A_204 = arith.constant 0 : index
      %get3A_205 = tpu.vector_load %arg6[%get3A_203, %get3A_204] {strides = array<i32>} : memref<200x128xi32, #tpu.memory_space<vmem>>, vector<16xi32>,
      %get3A_206 = arith.index_cast %add3A_190 : i32 to index
      %get3A_207 = arith.constant 16 : index
      %get3A_208 = tpu.vector_load %arg6[%get3A_206, %get3A_207] {strides = array<i32>} : memref<200x128xi32, #tpu.memory_space<vmem>>, vector<16xi32>,
      %get3A_209 = arith.index_cast %add3A_190 : i32 to index
      %get3A_210 = arith.constant 32 : index
      %get3A_211 = tpu.vector_load %arg6[%get3A_209, %get3A_210] {strides = array<i32>} : memref<200x128xi32, #tpu.memory_space<vmem>>, vector<16xi32>,
      %get3A_212 = arith.index_cast %add3A_190 : i32 to index
      %get3A_213 = arith.constant 48 : index
      %get3A_214 = tpu.vector_load %arg6[%get3A_212, %get3A_213] {strides = array<i32>} : memref<200x128xi32, #tpu.memory_space<vmem>>, vector<16xi32>,
      %mul3A_215 = arith.constant 4 : i32
      %mul3A_216 = arith.muli %scan3A_159, %mul3A_215 : i32
      %add3A_217 = arith.constant 2 : i32
      %add3A_218 = arith.addi %mul3A_216, %add3A_217 : i32
      %get3A_219 = arith.index_cast %add3A_218 : i32 to index
      %get3A_220 = arith.constant 0 : index
      %get3A_221 = tpu.vector_load %arg4[%get3A_219, %get3A_220] {strides = array<i32>} : memref<200x128xi32, #tpu.memory_space<vmem>>, vector<16xi32>,
      %get3A_222 = arith.index_cast %add3A_218 : i32 to index
      %get3A_223 = arith.constant 16 : index
      %get3A_224 = tpu.vector_load %arg4[%get3A_222, %get3A_223] {strides = array<i32>} : memref<200x128xi32, #tpu.memory_space<vmem>>, vector<16xi32>,
      %get3A_225 = arith.index_cast %add3A_218 : i32 to index
      %get3A_226 = arith.constant 32 : index
      %get3A_227 = tpu.vector_load %arg4[%get3A_225, %get3A_226] {strides = array<i32>} : memref<200x128xi32, #tpu.memory_space<vmem>>, vector<16xi32>,
      %get3A_228 = arith.index_cast %add3A_218 : i32 to index
      %get3A_229 = arith.constant 48 : index
      %get3A_230 = tpu.vector_load %arg4[%get3A_228, %get3A_229] {strides = array<i32>} : memref<200x128xi32, #tpu.memory_space<vmem>>, vector<16xi32>,
      %get3A_231 = arith.index_cast %add3A_218 : i32 to index
      %get3A_232 = arith.constant 0 : index
      %get3A_233 = tpu.vector_load %arg6[%get3A_231, %get3A_232] {strides = array<i32>} : memref<200x128xi32, #tpu.memory_space<vmem>>, vector<16xi32>,
      %get3A_234 = arith.index_cast %add3A_218 : i32 to index
      %get3A_235 = arith.constant 16 : index
      %get3A_236 = tpu.vector_load %arg6[%get3A_234, %get3A_235] {strides = array<i32>} : memref<200x128xi32, #tpu.memory_space<vmem>>, vector<16xi32>,
      %get3A_237 = arith.index_cast %add3A_218 : i32 to index
      %get3A_238 = arith.constant 32 : index
      %get3A_239 = tpu.vector_load %arg6[%get3A_237, %get3A_238] {strides = array<i32>} : memref<200x128xi32, #tpu.memory_space<vmem>>, vector<16xi32>,
      %get3A_240 = arith.index_cast %add3A_218 : i32 to index
      %get3A_241 = arith.constant 48 : index
      %get3A_242 = tpu.vector_load %arg6[%get3A_240, %get3A_241] {strides = array<i32>} : memref<200x128xi32, #tpu.memory_space<vmem>>, vector<16xi32>,
      %mul3A_243 = arith.constant 4 : i32
      %mul3A_244 = arith.muli %scan3A_159, %mul3A_243 : i32
      %add3A_245 = arith.constant 3 : i32
      %add3A_246 = arith.addi %mul3A_244, %add3A_245 : i32
      %get3A_247 = arith.index_cast %add3A_246 : i32 to index
      %get3A_248 = arith.constant 0 : index
      %get3A_249 = tpu.vector_load %arg4[%get3A_247, %get3A_248] {strides = array<i32>} : memref<200x128xi32, #tpu.memory_space<vmem>>, vector<16xi32>,
      %get3A_250 = arith.index_cast %add3A_246 : i32 to index
      %get3A_251 = arith.constant 16 : index
      %get3A_252 = tpu.vector_load %arg4[%get3A_250, %get3A_251] {strides = array<i32>} : memref<200x128xi32, #tpu.memory_space<vmem>>, vector<16xi32>,
      %get3A_253 = arith.index_cast %add3A_246 : i32 to index
      %get3A_254 = arith.constant 32 : index
      %get3A_255 = tpu.vector_load %arg4[%get3A_253, %get3A_254] {strides = array<i32>} : memref<200x128xi32, #tpu.memory_space<vmem>>, vector<16xi32>,
      %get3A_256 = arith.index_cast %add3A_246 : i32 to index
      %get3A_257 = arith.constant 48 : index
      %get3A_258 = tpu.vector_load %arg4[%get3A_256, %get3A_257] {strides = array<i32>} : memref<200x128xi32, #tpu.memory_space<vmem>>, vector<16xi32>,
      %get3A_259 = arith.index_cast %add3A_246 : i32 to index
      %get3A_260 = arith.constant 0 : index
      %get3A_261 = tpu.vector_load %arg6[%get3A_259, %get3A_260] {strides = array<i32>} : memref<200x128xi32, #tpu.memory_space<vmem>>, vector<16xi32>,
      %get3A_262 = arith.index_cast %add3A_246 : i32 to index
      %get3A_263 = arith.constant 16 : index
      %get3A_264 = tpu.vector_load %arg6[%get3A_262, %get3A_263] {strides = array<i32>} : memref<200x128xi32, #tpu.memory_space<vmem>>, vector<16xi32>,
      %get3A_265 = arith.index_cast %add3A_246 : i32 to index
      %get3A_266 = arith.constant 32 : index
      %get3A_267 = tpu.vector_load %arg6[%get3A_265, %get3A_266] {strides = array<i32>} : memref<200x128xi32, #tpu.memory_space<vmem>>, vector<16xi32>,
      %get3A_268 = arith.index_cast %add3A_246 : i32 to index
      %get3A_269 = arith.constant 48 : index
      %get3A_270 = tpu.vector_load %arg6[%get3A_268, %get3A_269] {strides = array<i32>} : memref<200x128xi32, #tpu.memory_space<vmem>>, vector<16xi32>,
      %add3A_271 = arith.addi %mul3A_8, %get3A_165 : vector<16xi32>
      %add3A_272 = arith.addi %mul3A_8, %get3A_168 : vector<16xi32>
      %add3A_273 = arith.addi %mul3A_8, %get3A_171 : vector<16xi32>
      %add3A_274 = arith.addi %mul3A_8, %get3A_174 : vector<16xi32>
      %add3A_275 = arith.addi %mul3A_8, %get3A_177 : vector<16xi32>
      %add3A_276 = arith.addi %mul3A_8, %get3A_180 : vector<16xi32>
      %add3A_277 = arith.addi %mul3A_8, %get3A_183 : vector<16xi32>
      %add3A_278 = arith.addi %mul3A_8, %get3A_186 : vector<16xi32>
      %add3A_279 = arith.addi %mul3A_8, %get3A_193 : vector<16xi32>
      %add3A_280 = arith.addi %mul3A_8, %get3A_196 : vector<16xi32>
      %add3A_281 = arith.addi %mul3A_8, %get3A_199 : vector<16xi32>
      %add3A_282 = arith.addi %mul3A_8, %get3A_202 : vector<16xi32>
      %add3A_283 = arith.addi %mul3A_8, %get3A_205 : vector<16xi32>
      %add3A_284 = arith.addi %mul3A_8, %get3A_208 : vector<16xi32>
      %add3A_285 = arith.addi %mul3A_8, %get3A_211 : vector<16xi32>
      %add3A_286 = arith.addi %mul3A_8, %get3A_214 : vector<16xi32>
      %add3A_287 = arith.addi %mul3A_8, %get3A_221 : vector<16xi32>
      %add3A_288 = arith.addi %mul3A_8, %get3A_224 : vector<16xi32>
      %add3A_289 = arith.addi %mul3A_8, %get3A_227 : vector<16xi32>
      %add3A_290 = arith.addi %mul3A_8, %get3A_230 : vector<16xi32>
      %add3A_291 = arith.addi %mul3A_8, %get3A_233 : vector<16xi32>
      %add3A_292 = arith.addi %mul3A_8, %get3A_236 : vector<16xi32>
      %add3A_293 = arith.addi %mul3A_8, %get3A_239 : vector<16xi32>
      %add3A_294 = arith.addi %mul3A_8, %get3A_242 : vector<16xi32>
      %add3A_295 = arith.addi %mul3A_8, %get3A_249 : vector<16xi32>
      %add3A_296 = arith.addi %mul3A_8, %get3A_252 : vector<16xi32>
      %add3A_297 = arith.addi %mul3A_8, %get3A_255 : vector<16xi32>
      %add3A_298 = arith.addi %mul3A_8, %get3A_258 : vector<16xi32>
      %add3A_299 = arith.addi %mul3A_8, %get3A_261 : vector<16xi32>
      %add3A_300 = arith.addi %mul3A_8, %get3A_264 : vector<16xi32>
      %add3A_301 = arith.addi %mul3A_8, %get3A_267 : vector<16xi32>
      %add3A_302 = arith.addi %mul3A_8, %get3A_270 : vector<16xi32>
      %scatter3A = arith.constant 0 : i32
      %scatter3A_303 = tpu.memref_slice %arg8[%scatter3A] : memref<8192xf32, #tpu.memory_space<vmem>> -> memref<1984xf32, #tpu.memory_space<vmem>>
      tpu.vector_store_idx %scatter3A_303[%add3A_271], %broadcast_in_dim3A_5 {add = true} : memref<1984xf32, #tpu.memory_space<vmem>>[vector<16xi32>], vector<16xf32>,
      %scatter3A_304 = arith.constant 2048 : i32
      %scatter3A_305 = tpu.memref_slice %arg8[%scatter3A_304] : memref<8192xf32, #tpu.memory_space<vmem>> -> memref<1984xf32, #tpu.memory_space<vmem>>
      tpu.vector_store_idx %scatter3A_305[%add3A_272], %broadcast_in_dim3A_5 {add = true} : memref<1984xf32, #tpu.memory_space<vmem>>[vector<16xi32>], vector<16xf32>,
      %scatter3A_306 = arith.constant 4096 : i32
      %scatter3A_307 = tpu.memref_slice %arg8[%scatter3A_306] : memref<8192xf32, #tpu.memory_space<vmem>> -> memref<1984xf32, #tpu.memory_space<vmem>>
      tpu.vector_store_idx %scatter3A_307[%add3A_273], %broadcast_in_dim3A_5 {add = true} : memref<1984xf32, #tpu.memory_space<vmem>>[vector<16xi32>], vector<16xf32>,
      %scatter3A_308 = arith.constant 6144 : i32
      %scatter3A_309 = tpu.memref_slice %arg8[%scatter3A_308] : memref<8192xf32, #tpu.memory_space<vmem>> -> memref<1984xf32, #tpu.memory_space<vmem>>
      tpu.vector_store_idx %scatter3A_309[%add3A_274], %broadcast_in_dim3A_5 {add = true} : memref<1984xf32, #tpu.memory_space<vmem>>[vector<16xi32>], vector<16xf32>,
      %scatter3A_310 = arith.constant 64 : i32
      %scatter3A_311 = tpu.memref_slice %arg8[%scatter3A_310] : memref<8192xf32, #tpu.memory_space<vmem>> -> memref<1984xf32, #tpu.memory_space<vmem>>
      tpu.vector_store_idx %scatter3A_311[%add3A_275], %broadcast_in_dim3A_5 {add = true} : memref<1984xf32, #tpu.memory_space<vmem>>[vector<16xi32>], vector<16xf32>,
      %scatter3A_312 = arith.constant 2112 : i32
      %scatter3A_313 = tpu.memref_slice %arg8[%scatter3A_312] : memref<8192xf32, #tpu.memory_space<vmem>> -> memref<1984xf32, #tpu.memory_space<vmem>>
      tpu.vector_store_idx %scatter3A_313[%add3A_276], %broadcast_in_dim3A_5 {add = true} : memref<1984xf32, #tpu.memory_space<vmem>>[vector<16xi32>], vector<16xf32>,
      %scatter3A_314 = arith.constant 4160 : i32
      %scatter3A_315 = tpu.memref_slice %arg8[%scatter3A_314] : memref<8192xf32, #tpu.memory_space<vmem>> -> memref<1984xf32, #tpu.memory_space<vmem>>
      tpu.vector_store_idx %scatter3A_315[%add3A_277], %broadcast_in_dim3A_5 {add = true} : memref<1984xf32, #tpu.memory_space<vmem>>[vector<16xi32>], vector<16xf32>,
      %scatter3A_316 = arith.constant 6208 : i32
      %scatter3A_317 = tpu.memref_slice %arg8[%scatter3A_316] : memref<8192xf32, #tpu.memory_space<vmem>> -> memref<1984xf32, #tpu.memory_space<vmem>>
      tpu.vector_store_idx %scatter3A_317[%add3A_278], %broadcast_in_dim3A_5 {add = true} : memref<1984xf32, #tpu.memory_space<vmem>>[vector<16xi32>], vector<16xf32>,
      %scatter3A_318 = arith.constant 0 : i32
      %scatter3A_319 = tpu.memref_slice %arg8[%scatter3A_318] : memref<8192xf32, #tpu.memory_space<vmem>> -> memref<1984xf32, #tpu.memory_space<vmem>>
      tpu.vector_store_idx %scatter3A_319[%add3A_279], %broadcast_in_dim3A_5 {add = true} : memref<1984xf32, #tpu.memory_space<vmem>>[vector<16xi32>], vector<16xf32>,
      %scatter3A_320 = arith.constant 2048 : i32
      %scatter3A_321 = tpu.memref_slice %arg8[%scatter3A_320] : memref<8192xf32, #tpu.memory_space<vmem>> -> memref<1984xf32, #tpu.memory_space<vmem>>
      tpu.vector_store_idx %scatter3A_321[%add3A_280], %broadcast_in_dim3A_5 {add = true} : memref<1984xf32, #tpu.memory_space<vmem>>[vector<16xi32>], vector<16xf32>,
      %scatter3A_322 = arith.constant 4096 : i32
      %scatter3A_323 = tpu.memref_slice %arg8[%scatter3A_322] : memref<8192xf32, #tpu.memory_space<vmem>> -> memref<1984xf32, #tpu.memory_space<vmem>>
      tpu.vector_store_idx %scatter3A_323[%add3A_281], %broadcast_in_dim3A_5 {add = true} : memref<1984xf32, #tpu.memory_space<vmem>>[vector<16xi32>], vector<16xf32>,
      %scatter3A_324 = arith.constant 6144 : i32
      %scatter3A_325 = tpu.memref_slice %arg8[%scatter3A_324] : memref<8192xf32, #tpu.memory_space<vmem>> -> memref<1984xf32, #tpu.memory_space<vmem>>
      tpu.vector_store_idx %scatter3A_325[%add3A_282], %broadcast_in_dim3A_5 {add = true} : memref<1984xf32, #tpu.memory_space<vmem>>[vector<16xi32>], vector<16xf32>,
      %scatter3A_326 = arith.constant 64 : i32
      %scatter3A_327 = tpu.memref_slice %arg8[%scatter3A_326] : memref<8192xf32, #tpu.memory_space<vmem>> -> memref<1984xf32, #tpu.memory_space<vmem>>
      tpu.vector_store_idx %scatter3A_327[%add3A_283], %broadcast_in_dim3A_5 {add = true} : memref<1984xf32, #tpu.memory_space<vmem>>[vector<16xi32>], vector<16xf32>,
      %scatter3A_328 = arith.constant 2112 : i32
      %scatter3A_329 = tpu.memref_slice %arg8[%scatter3A_328] : memref<8192xf32, #tpu.memory_space<vmem>> -> memref<1984xf32, #tpu.memory_space<vmem>>
      tpu.vector_store_idx %scatter3A_329[%add3A_284], %broadcast_in_dim3A_5 {add = true} : memref<1984xf32, #tpu.memory_space<vmem>>[vector<16xi32>], vector<16xf32>,
      %scatter3A_330 = arith.constant 4160 : i32
      %scatter3A_331 = tpu.memref_slice %arg8[%scatter3A_330] : memref<8192xf32, #tpu.memory_space<vmem>> -> memref<1984xf32, #tpu.memory_space<vmem>>
      tpu.vector_store_idx %scatter3A_331[%add3A_285], %broadcast_in_dim3A_5 {add = true} : memref<1984xf32, #tpu.memory_space<vmem>>[vector<16xi32>], vector<16xf32>,
      %scatter3A_332 = arith.constant 6208 : i32
      %scatter3A_333 = tpu.memref_slice %arg8[%scatter3A_332] : memref<8192xf32, #tpu.memory_space<vmem>> -> memref<1984xf32, #tpu.memory_space<vmem>>
      tpu.vector_store_idx %scatter3A_333[%add3A_286], %broadcast_in_dim3A_5 {add = true} : memref<1984xf32, #tpu.memory_space<vmem>>[vector<16xi32>], vector<16xf32>,
      %scatter3A_334 = arith.constant 0 : i32
      %scatter3A_335 = tpu.memref_slice %arg8[%scatter3A_334] : memref<8192xf32, #tpu.memory_space<vmem>> -> memref<1984xf32, #tpu.memory_space<vmem>>
      tpu.vector_store_idx %scatter3A_335[%add3A_287], %broadcast_in_dim3A_5 {add = true} : memref<1984xf32, #tpu.memory_space<vmem>>[vector<16xi32>], vector<16xf32>,
      %scatter3A_336 = arith.constant 2048 : i32
      %scatter3A_337 = tpu.memref_slice %arg8[%scatter3A_336] : memref<8192xf32, #tpu.memory_space<vmem>> -> memref<1984xf32, #tpu.memory_space<vmem>>
      tpu.vector_store_idx %scatter3A_337[%add3A_288], %broadcast_in_dim3A_5 {add = true} : memref<1984xf32, #tpu.memory_space<vmem>>[vector<16xi32>], vector<16xf32>,
      %scatter3A_338 = arith.constant 4096 : i32
      %scatter3A_339 = tpu.memref_slice %arg8[%scatter3A_338] : memref<8192xf32, #tpu.memory_space<vmem>> -> memref<1984xf32, #tpu.memory_space<vmem>>
      tpu.vector_store_idx %scatter3A_339[%add3A_289], %broadcast_in_dim3A_5 {add = true} : memref<1984xf32, #tpu.memory_space<vmem>>[vector<16xi32>], vector<16xf32>,
      %scatter3A_340 = arith.constant 6144 : i32
      %scatter3A_341 = tpu.memref_slice %arg8[%scatter3A_340] : memref<8192xf32, #tpu.memory_space<vmem>> -> memref<1984xf32, #tpu.memory_space<vmem>>
      tpu.vector_store_idx %scatter3A_341[%add3A_290], %broadcast_in_dim3A_5 {add = true} : memref<1984xf32, #tpu.memory_space<vmem>>[vector<16xi32>], vector<16xf32>,
      %scatter3A_342 = arith.constant 64 : i32
      %scatter3A_343 = tpu.memref_slice %arg8[%scatter3A_342] : memref<8192xf32, #tpu.memory_space<vmem>> -> memref<1984xf32, #tpu.memory_space<vmem>>
      tpu.vector_store_idx %scatter3A_343[%add3A_291], %broadcast_in_dim3A_5 {add = true} : memref<1984xf32, #tpu.memory_space<vmem>>[vector<16xi32>], vector<16xf32>,
      %scatter3A_344 = arith.constant 2112 : i32
      %scatter3A_345 = tpu.memref_slice %arg8[%scatter3A_344] : memref<8192xf32, #tpu.memory_space<vmem>> -> memref<1984xf32, #tpu.memory_space<vmem>>
      tpu.vector_store_idx %scatter3A_345[%add3A_292], %broadcast_in_dim3A_5 {add = true} : memref<1984xf32, #tpu.memory_space<vmem>>[vector<16xi32>], vector<16xf32>,
      %scatter3A_346 = arith.constant 4160 : i32
      %scatter3A_347 = tpu.memref_slice %arg8[%scatter3A_346] : memref<8192xf32, #tpu.memory_space<vmem>> -> memref<1984xf32, #tpu.memory_space<vmem>>
      tpu.vector_store_idx %scatter3A_347[%add3A_293], %broadcast_in_dim3A_5 {add = true} : memref<1984xf32, #tpu.memory_space<vmem>>[vector<16xi32>], vector<16xf32>,
      %scatter3A_348 = arith.constant 6208 : i32
      %scatter3A_349 = tpu.memref_slice %arg8[%scatter3A_348] : memref<8192xf32, #tpu.memory_space<vmem>> -> memref<1984xf32, #tpu.memory_space<vmem>>
      tpu.vector_store_idx %scatter3A_349[%add3A_294], %broadcast_in_dim3A_5 {add = true} : memref<1984xf32, #tpu.memory_space<vmem>>[vector<16xi32>], vector<16xf32>,
      %scatter3A_350 = arith.constant 0 : i32
      %scatter3A_351 = tpu.memref_slice %arg8[%scatter3A_350] : memref<8192xf32, #tpu.memory_space<vmem>> -> memref<1984xf32, #tpu.memory_space<vmem>>
      tpu.vector_store_idx %scatter3A_351[%add3A_295], %broadcast_in_dim3A_5 {add = true} : memref<1984xf32, #tpu.memory_space<vmem>>[vector<16xi32>], vector<16xf32>,
      %scatter3A_352 = arith.constant 2048 : i32
      %scatter3A_353 = tpu.memref_slice %arg8[%scatter3A_352] : memref<8192xf32, #tpu.memory_space<vmem>> -> memref<1984xf32, #tpu.memory_space<vmem>>
      tpu.vector_store_idx %scatter3A_353[%add3A_296], %broadcast_in_dim3A_5 {add = true} : memref<1984xf32, #tpu.memory_space<vmem>>[vector<16xi32>], vector<16xf32>,
      %scatter3A_354 = arith.constant 4096 : i32
      %scatter3A_355 = tpu.memref_slice %arg8[%scatter3A_354] : memref<8192xf32, #tpu.memory_space<vmem>> -> memref<1984xf32, #tpu.memory_space<vmem>>
      tpu.vector_store_idx %scatter3A_355[%add3A_297], %broadcast_in_dim3A_5 {add = true} : memref<1984xf32, #tpu.memory_space<vmem>>[vector<16xi32>], vector<16xf32>,
      %scatter3A_356 = arith.constant 6144 : i32
      %scatter3A_357 = tpu.memref_slice %arg8[%scatter3A_356] : memref<8192xf32, #tpu.memory_space<vmem>> -> memref<1984xf32, #tpu.memory_space<vmem>>
      tpu.vector_store_idx %scatter3A_357[%add3A_298], %broadcast_in_dim3A_5 {add = true} : memref<1984xf32, #tpu.memory_space<vmem>>[vector<16xi32>], vector<16xf32>,
      %scatter3A_358 = arith.constant 64 : i32
      %scatter3A_359 = tpu.memref_slice %arg8[%scatter3A_358] : memref<8192xf32, #tpu.memory_space<vmem>> -> memref<1984xf32, #tpu.memory_space<vmem>>
      tpu.vector_store_idx %scatter3A_359[%add3A_299], %broadcast_in_dim3A_5 {add = true} : memref<1984xf32, #tpu.memory_space<vmem>>[vector<16xi32>], vector<16xf32>,
      %scatter3A_360 = arith.constant 2112 : i32
      %scatter3A_361 = tpu.memref_slice %arg8[%scatter3A_360] : memref<8192xf32, #tpu.memory_space<vmem>> -> memref<1984xf32, #tpu.memory_space<vmem>>
      tpu.vector_store_idx %scatter3A_361[%add3A_300], %broadcast_in_dim3A_5 {add = true} : memref<1984xf32, #tpu.memory_space<vmem>>[vector<16xi32>], vector<16xf32>,
      %scatter3A_362 = arith.constant 4160 : i32
      %scatter3A_363 = tpu.memref_slice %arg8[%scatter3A_362] : memref<8192xf32, #tpu.memory_space<vmem>> -> memref<1984xf32, #tpu.memory_space<vmem>>
      tpu.vector_store_idx %scatter3A_363[%add3A_301], %broadcast_in_dim3A_5 {add = true} : memref<1984xf32, #tpu.memory_space<vmem>>[vector<16xi32>], vector<16xf32>,
      %scatter3A_364 = arith.constant 6208 : i32
      %scatter3A_365 = tpu.memref_slice %arg8[%scatter3A_364] : memref<8192xf32, #tpu.memory_space<vmem>> -> memref<1984xf32, #tpu.memory_space<vmem>>
      tpu.vector_store_idx %scatter3A_365[%add3A_302], %broadcast_in_dim3A_5 {add = true} : memref<1984xf32, #tpu.memory_space<vmem>>[vector<16xi32>], vector<16xf32>,
    }
    %scan3A_45 = arith.constant 50 : i32
    %add3A_46 = arith.constant 0 : i32
    %add3A_47 = arith.addi %mul3A_2, %add3A_46 : i32
    %mul3A_48 = arith.constant 2 : i32
    %mul3A_49 = arith.muli %add3A_47, %mul3A_48 : i32
    %mul3A_50 = arith.constant 64 : i32
    %mul3A_51 = arith.muli %mul3A_49, %mul3A_50 : i32
    %dma_start3A_52 = tpu.memref_slice %arg3[%mul3A_51] : memref<1048576xf32, #tpu.memory_space<hbm>> -> memref<8192xf32, #tpu.memory_space<hbm>>
    %dma_start3A_53 = tpu.memref_slice %arg3[%mul3A_51] : memref<1048576xf32, #tpu.memory_space<hbm>> -> memref<8192xf32, #tpu.memory_space<hbm>>
    tpu.enqueue_dma source(%arg8 : memref<8192xf32, #tpu.memory_space<vmem>>) target(%dma_start3A_53 : memref<8192xf32, #tpu.memory_space<hbm>>) target_semaphore(%arg12 : memref<!tpu.dma_semaphore, #tpu.memory_space<semaphore_mem>>)
    %dma_wait3A_54 = tpu.memref_slice %arg3[%mul3A_51] : memref<1048576xf32, #tpu.memory_space<hbm>> -> memref<8192xf32, #tpu.memory_space<hbm>>
    %dma_wait3A_55 = tpu.memref_slice %arg3[%mul3A_51] : memref<1048576xf32, #tpu.memory_space<hbm>> -> memref<8192xf32, #tpu.memory_space<hbm>>
    tpu.wait_dma2 semaphore(%arg12 : memref<!tpu.dma_semaphore, #tpu.memory_space<semaphore_mem>>) src(%arg8 : memref<8192xf32, #tpu.memory_space<vmem>>) dst(%dma_wait3A_55 : memref<8192xf32, #tpu.memory_space<hbm>>)
    %scan3A_56 = arith.constant 0 : i32
    %scan3A_57 = arith.constant 0 : i32
    %scan3A_58 = arith.constant 50 : i32
    %scan3A_59 = arith.addi %scan3A_57, %scan3A_58 : i32
    %scan3A_60 = arith.constant 1 : i32
    scf.for %scan3A_159 = %scan3A_57 to %scan3A_59 step %scan3A_60  : i32 {
      %mul3A_160 = arith.constant 4 : i32
      %mul3A_161 = arith.muli %scan3A_159, %mul3A_160 : i32
      %add3A_162 = arith.constant 0 : i32
      %add3A_163 = arith.addi %mul3A_161, %add3A_162 : i32
      %get3A = arith.index_cast %add3A_163 : i32 to index
      %get3A_164 = arith.constant 64 : index
      %get3A_165 = tpu.vector_load %arg4[%get3A, %get3A_164] {strides = array<i32>} : memref<200x128xi32, #tpu.memory_space<vmem>>, vector<16xi32>,
      %get3A_166 = arith.index_cast %add3A_163 : i32 to index
      %get3A_167 = arith.constant 80 : index
      %get3A_168 = tpu.vector_load %arg4[%get3A_166, %get3A_167] {strides = array<i32>} : memref<200x128xi32, #tpu.memory_space<vmem>>, vector<16xi32>,
      %get3A_169 = arith.index_cast %add3A_163 : i32 to index
      %get3A_170 = arith.constant 96 : index
      %get3A_171 = tpu.vector_load %arg4[%get3A_169, %get3A_170] {strides = array<i32>} : memref<200x128xi32, #tpu.memory_space<vmem>>, vector<16xi32>,
      %get3A_172 = arith.index_cast %add3A_163 : i32 to index
      %get3A_173 = arith.constant 112 : index
      %get3A_174 = tpu.vector_load %arg4[%get3A_172, %get3A_173] {strides = array<i32>} : memref<200x128xi32, #tpu.memory_space<vmem>>, vector<16xi32>,
      %get3A_175 = arith.index_cast %add3A_163 : i32 to index
      %get3A_176 = arith.constant 64 : index
      %get3A_177 = tpu.vector_load %arg6[%get3A_175, %get3A_176] {strides = array<i32>} : memref<200x128xi32, #tpu.memory_space<vmem>>, vector<16xi32>,
      %get3A_178 = arith.index_cast %add3A_163 : i32 to index
      %get3A_179 = arith.constant 80 : index
      %get3A_180 = tpu.vector_load %arg6[%get3A_178, %get3A_179] {strides = array<i32>} : memref<200x128xi32, #tpu.memory_space<vmem>>, vector<16xi32>,
      %get3A_181 = arith.index_cast %add3A_163 : i32 to index
      %get3A_182 = arith.constant 96 : index
      %get3A_183 = tpu.vector_load %arg6[%get3A_181, %get3A_182] {strides = array<i32>} : memref<200x128xi32, #tpu.memory_space<vmem>>, vector<16xi32>,
      %get3A_184 = arith.index_cast %add3A_163 : i32 to index
      %get3A_185 = arith.constant 112 : index
      %get3A_186 = tpu.vector_load %arg6[%get3A_184, %get3A_185] {strides = array<i32>} : memref<200x128xi32, #tpu.memory_space<vmem>>, vector<16xi32>,
      %mul3A_187 = arith.constant 4 : i32
      %mul3A_188 = arith.muli %scan3A_159, %mul3A_187 : i32
      %add3A_189 = arith.constant 1 : i32
      %add3A_190 = arith.addi %mul3A_188, %add3A_189 : i32
      %get3A_191 = arith.index_cast %add3A_190 : i32 to index
      %get3A_192 = arith.constant 64 : index
      %get3A_193 = tpu.vector_load %arg4[%get3A_191, %get3A_192] {strides = array<i32>} : memref<200x128xi32, #tpu.memory_space<vmem>>, vector<16xi32>,
      %get3A_194 = arith.index_cast %add3A_190 : i32 to index
      %get3A_195 = arith.constant 80 : index
      %get3A_196 = tpu.vector_load %arg4[%get3A_194, %get3A_195] {strides = array<i32>} : memref<200x128xi32, #tpu.memory_space<vmem>>, vector<16xi32>,
      %get3A_197 = arith.index_cast %add3A_190 : i32 to index
      %get3A_198 = arith.constant 96 : index
      %get3A_199 = tpu.vector_load %arg4[%get3A_197, %get3A_198] {strides = array<i32>} : memref<200x128xi32, #tpu.memory_space<vmem>>, vector<16xi32>,
      %get3A_200 = arith.index_cast %add3A_190 : i32 to index
      %get3A_201 = arith.constant 112 : index
      %get3A_202 = tpu.vector_load %arg4[%get3A_200, %get3A_201] {strides = array<i32>} : memref<200x128xi32, #tpu.memory_space<vmem>>, vector<16xi32>,
      %get3A_203 = arith.index_cast %add3A_190 : i32 to index
      %get3A_204 = arith.constant 64 : index
      %get3A_205 = tpu.vector_load %arg6[%get3A_203, %get3A_204] {strides = array<i32>} : memref<200x128xi32, #tpu.memory_space<vmem>>, vector<16xi32>,
      %get3A_206 = arith.index_cast %add3A_190 : i32 to index
      %get3A_207 = arith.constant 80 : index
      %get3A_208 = tpu.vector_load %arg6[%get3A_206, %get3A_207] {strides = array<i32>} : memref<200x128xi32, #tpu.memory_space<vmem>>, vector<16xi32>,
      %get3A_209 = arith.index_cast %add3A_190 : i32 to index
      %get3A_210 = arith.constant 96 : index
      %get3A_211 = tpu.vector_load %arg6[%get3A_209, %get3A_210] {strides = array<i32>} : memref<200x128xi32, #tpu.memory_space<vmem>>, vector<16xi32>,
      %get3A_212 = arith.index_cast %add3A_190 : i32 to index
      %get3A_213 = arith.constant 112 : index
      %get3A_214 = tpu.vector_load %arg6[%get3A_212, %get3A_213] {strides = array<i32>} : memref<200x128xi32, #tpu.memory_space<vmem>>, vector<16xi32>,
      %mul3A_215 = arith.constant 4 : i32
      %mul3A_216 = arith.muli %scan3A_159, %mul3A_215 : i32
      %add3A_217 = arith.constant 2 : i32
      %add3A_218 = arith.addi %mul3A_216, %add3A_217 : i32
      %get3A_219 = arith.index_cast %add3A_218 : i32 to index
      %get3A_220 = arith.constant 64 : index
      %get3A_221 = tpu.vector_load %arg4[%get3A_219, %get3A_220] {strides = array<i32>} : memref<200x128xi32, #tpu.memory_space<vmem>>, vector<16xi32>,
      %get3A_222 = arith.index_cast %add3A_218 : i32 to index
      %get3A_223 = arith.constant 80 : index
      %get3A_224 = tpu.vector_load %arg4[%get3A_222, %get3A_223] {strides = array<i32>} : memref<200x128xi32, #tpu.memory_space<vmem>>, vector<16xi32>,
      %get3A_225 = arith.index_cast %add3A_218 : i32 to index
      %get3A_226 = arith.constant 96 : index
      %get3A_227 = tpu.vector_load %arg4[%get3A_225, %get3A_226] {strides = array<i32>} : memref<200x128xi32, #tpu.memory_space<vmem>>, vector<16xi32>,
      %get3A_228 = arith.index_cast %add3A_218 : i32 to index
      %get3A_229 = arith.constant 112 : index
      %get3A_230 = tpu.vector_load %arg4[%get3A_228, %get3A_229] {strides = array<i32>} : memref<200x128xi32, #tpu.memory_space<vmem>>, vector<16xi32>,
      %get3A_231 = arith.index_cast %add3A_218 : i32 to index
      %get3A_232 = arith.constant 64 : index
      %get3A_233 = tpu.vector_load %arg6[%get3A_231, %get3A_232] {strides = array<i32>} : memref<200x128xi32, #tpu.memory_space<vmem>>, vector<16xi32>,
      %get3A_234 = arith.index_cast %add3A_218 : i32 to index
      %get3A_235 = arith.constant 80 : index
      %get3A_236 = tpu.vector_load %arg6[%get3A_234, %get3A_235] {strides = array<i32>} : memref<200x128xi32, #tpu.memory_space<vmem>>, vector<16xi32>,
      %get3A_237 = arith.index_cast %add3A_218 : i32 to index
      %get3A_238 = arith.constant 96 : index
      %get3A_239 = tpu.vector_load %arg6[%get3A_237, %get3A_238] {strides = array<i32>} : memref<200x128xi32, #tpu.memory_space<vmem>>, vector<16xi32>,
      %get3A_240 = arith.index_cast %add3A_218 : i32 to index
      %get3A_241 = arith.constant 112 : index
      %get3A_242 = tpu.vector_load %arg6[%get3A_240, %get3A_241] {strides = array<i32>} : memref<200x128xi32, #tpu.memory_space<vmem>>, vector<16xi32>,
      %mul3A_243 = arith.constant 4 : i32
      %mul3A_244 = arith.muli %scan3A_159, %mul3A_243 : i32
      %add3A_245 = arith.constant 3 : i32
      %add3A_246 = arith.addi %mul3A_244, %add3A_245 : i32
      %get3A_247 = arith.index_cast %add3A_246 : i32 to index
      %get3A_248 = arith.constant 64 : index
      %get3A_249 = tpu.vector_load %arg4[%get3A_247, %get3A_248] {strides = array<i32>} : memref<200x128xi32, #tpu.memory_space<vmem>>, vector<16xi32>,
      %get3A_250 = arith.index_cast %add3A_246 : i32 to index
      %get3A_251 = arith.constant 80 : index
      %get3A_252 = tpu.vector_load %arg4[%get3A_250, %get3A_251] {strides = array<i32>} : memref<200x128xi32, #tpu.memory_space<vmem>>, vector<16xi32>,
      %get3A_253 = arith.index_cast %add3A_246 : i32 to index
      %get3A_254 = arith.constant 96 : index
      %get3A_255 = tpu.vector_load %arg4[%get3A_253, %get3A_254] {strides = array<i32>} : memref<200x128xi32, #tpu.memory_space<vmem>>, vector<16xi32>,
      %get3A_256 = arith.index_cast %add3A_246 : i32 to index
      %get3A_257 = arith.constant 112 : index
      %get3A_258 = tpu.vector_load %arg4[%get3A_256, %get3A_257] {strides = array<i32>} : memref<200x128xi32, #tpu.memory_space<vmem>>, vector<16xi32>,
      %get3A_259 = arith.index_cast %add3A_246 : i32 to index
      %get3A_260 = arith.constant 64 : index
      %get3A_261 = tpu.vector_load %arg6[%get3A_259, %get3A_260] {strides = array<i32>} : memref<200x128xi32, #tpu.memory_space<vmem>>, vector<16xi32>,
      %get3A_262 = arith.index_cast %add3A_246 : i32 to index
      %get3A_263 = arith.constant 80 : index
      %get3A_264 = tpu.vector_load %arg6[%get3A_262, %get3A_263] {strides = array<i32>} : memref<200x128xi32, #tpu.memory_space<vmem>>, vector<16xi32>,
      %get3A_265 = arith.index_cast %add3A_246 : i32 to index
      %get3A_266 = arith.constant 96 : index
      %get3A_267 = tpu.vector_load %arg6[%get3A_265, %get3A_266] {strides = array<i32>} : memref<200x128xi32, #tpu.memory_space<vmem>>, vector<16xi32>,
      %get3A_268 = arith.index_cast %add3A_246 : i32 to index
      %get3A_269 = arith.constant 112 : index
      %get3A_270 = tpu.vector_load %arg6[%get3A_268, %get3A_269] {strides = array<i32>} : memref<200x128xi32, #tpu.memory_space<vmem>>, vector<16xi32>,
      %add3A_271 = arith.addi %mul3A_8, %get3A_165 : vector<16xi32>
      %add3A_272 = arith.addi %mul3A_8, %get3A_168 : vector<16xi32>
      %add3A_273 = arith.addi %mul3A_8, %get3A_171 : vector<16xi32>
      %add3A_274 = arith.addi %mul3A_8, %get3A_174 : vector<16xi32>
      %add3A_275 = arith.addi %mul3A_8, %get3A_177 : vector<16xi32>
      %add3A_276 = arith.addi %mul3A_8, %get3A_180 : vector<16xi32>
      %add3A_277 = arith.addi %mul3A_8, %get3A_183 : vector<16xi32>
      %add3A_278 = arith.addi %mul3A_8, %get3A_186 : vector<16xi32>
      %add3A_279 = arith.addi %mul3A_8, %get3A_193 : vector<16xi32>
      %add3A_280 = arith.addi %mul3A_8, %get3A_196 : vector<16xi32>
      %add3A_281 = arith.addi %mul3A_8, %get3A_199 : vector<16xi32>
      %add3A_282 = arith.addi %mul3A_8, %get3A_202 : vector<16xi32>
      %add3A_283 = arith.addi %mul3A_8, %get3A_205 : vector<16xi32>
      %add3A_284 = arith.addi %mul3A_8, %get3A_208 : vector<16xi32>
      %add3A_285 = arith.addi %mul3A_8, %get3A_211 : vector<16xi32>
      %add3A_286 = arith.addi %mul3A_8, %get3A_214 : vector<16xi32>
      %add3A_287 = arith.addi %mul3A_8, %get3A_221 : vector<16xi32>
      %add3A_288 = arith.addi %mul3A_8, %get3A_224 : vector<16xi32>
      %add3A_289 = arith.addi %mul3A_8, %get3A_227 : vector<16xi32>
      %add3A_290 = arith.addi %mul3A_8, %get3A_230 : vector<16xi32>
      %add3A_291 = arith.addi %mul3A_8, %get3A_233 : vector<16xi32>
      %add3A_292 = arith.addi %mul3A_8, %get3A_236 : vector<16xi32>
      %add3A_293 = arith.addi %mul3A_8, %get3A_239 : vector<16xi32>
      %add3A_294 = arith.addi %mul3A_8, %get3A_242 : vector<16xi32>
      %add3A_295 = arith.addi %mul3A_8, %get3A_249 : vector<16xi32>
      %add3A_296 = arith.addi %mul3A_8, %get3A_252 : vector<16xi32>
      %add3A_297 = arith.addi %mul3A_8, %get3A_255 : vector<16xi32>
      %add3A_298 = arith.addi %mul3A_8, %get3A_258 : vector<16xi32>
      %add3A_299 = arith.addi %mul3A_8, %get3A_261 : vector<16xi32>
      %add3A_300 = arith.addi %mul3A_8, %get3A_264 : vector<16xi32>
      %add3A_301 = arith.addi %mul3A_8, %get3A_267 : vector<16xi32>
      %add3A_302 = arith.addi %mul3A_8, %get3A_270 : vector<16xi32>
      %mul3A_303 = arith.constant 10 : i32
      %mul3A_304 = arith.muli %scan3A_159, %mul3A_303 : i32
      %add3A_305 = arith.constant 0 : i32
      %add3A_306 = arith.addi %mul3A_304, %add3A_305 : i32
      %mul3A_307 = arith.constant 16 : i32
      %mul3A_308 = arith.muli %add3A_306, %mul3A_307 : i32
      %swap3A_309 = arith.index_cast %mul3A_308 : i32 to index
      %swap3A_310 = tpu.vector_load %arg8[%swap3A_309] {strides = array<i32>} : memref<8192xf32, #tpu.memory_space<vmem>>, vector<16xf32>,
      tpu.vector_store %arg8[%swap3A_309], %broadcast_in_dim3A_3 {strides = array<i32>} : memref<8192xf32, #tpu.memory_space<vmem>>, vector<16xf32>,
      %mul3A_311 = arith.constant 10 : i32
      %mul3A_312 = arith.muli %scan3A_159, %mul3A_311 : i32
      %add3A_313 = arith.constant 1 : i32
      %add3A_314 = arith.addi %mul3A_312, %add3A_313 : i32
      %mul3A_315 = arith.constant 16 : i32
      %mul3A_316 = arith.muli %add3A_314, %mul3A_315 : i32
      %swap3A_317 = arith.index_cast %mul3A_316 : i32 to index
      %swap3A_318 = tpu.vector_load %arg8[%swap3A_317] {strides = array<i32>} : memref<8192xf32, #tpu.memory_space<vmem>>, vector<16xf32>,
      tpu.vector_store %arg8[%swap3A_317], %broadcast_in_dim3A_3 {strides = array<i32>} : memref<8192xf32, #tpu.memory_space<vmem>>, vector<16xf32>,
      %mul3A_319 = arith.constant 10 : i32
      %mul3A_320 = arith.muli %scan3A_159, %mul3A_319 : i32
      %add3A_321 = arith.constant 2 : i32
      %add3A_322 = arith.addi %mul3A_320, %add3A_321 : i32
      %mul3A_323 = arith.constant 16 : i32
      %mul3A_324 = arith.muli %add3A_322, %mul3A_323 : i32
      %swap3A_325 = arith.index_cast %mul3A_324 : i32 to index
      %swap3A_326 = tpu.vector_load %arg8[%swap3A_325] {strides = array<i32>} : memref<8192xf32, #tpu.memory_space<vmem>>, vector<16xf32>,
      tpu.vector_store %arg8[%swap3A_325], %broadcast_in_dim3A_3 {strides = array<i32>} : memref<8192xf32, #tpu.memory_space<vmem>>, vector<16xf32>,
      %mul3A_327 = arith.constant 10 : i32
      %mul3A_328 = arith.muli %scan3A_159, %mul3A_327 : i32
      %add3A_329 = arith.constant 3 : i32
      %add3A_330 = arith.addi %mul3A_328, %add3A_329 : i32
      %mul3A_331 = arith.constant 16 : i32
      %mul3A_332 = arith.muli %add3A_330, %mul3A_331 : i32
      %swap3A_333 = arith.index_cast %mul3A_332 : i32 to index
      %swap3A_334 = tpu.vector_load %arg8[%swap3A_333] {strides = array<i32>} : memref<8192xf32, #tpu.memory_space<vmem>>, vector<16xf32>,
      tpu.vector_store %arg8[%swap3A_333], %broadcast_in_dim3A_3 {strides = array<i32>} : memref<8192xf32, #tpu.memory_space<vmem>>, vector<16xf32>,
      %mul3A_335 = arith.constant 10 : i32
      %mul3A_336 = arith.muli %scan3A_159, %mul3A_335 : i32
      %add3A_337 = arith.constant 4 : i32
      %add3A_338 = arith.addi %mul3A_336, %add3A_337 : i32
      %mul3A_339 = arith.constant 16 : i32
      %mul3A_340 = arith.muli %add3A_338, %mul3A_339 : i32
      %swap3A_341 = arith.index_cast %mul3A_340 : i32 to index
      %swap3A_342 = tpu.vector_load %arg8[%swap3A_341] {strides = array<i32>} : memref<8192xf32, #tpu.memory_space<vmem>>, vector<16xf32>,
      tpu.vector_store %arg8[%swap3A_341], %broadcast_in_dim3A_3 {strides = array<i32>} : memref<8192xf32, #tpu.memory_space<vmem>>, vector<16xf32>,
      %mul3A_343 = arith.constant 10 : i32
      %mul3A_344 = arith.muli %scan3A_159, %mul3A_343 : i32
      %add3A_345 = arith.constant 5 : i32
      %add3A_346 = arith.addi %mul3A_344, %add3A_345 : i32
      %mul3A_347 = arith.constant 16 : i32
      %mul3A_348 = arith.muli %add3A_346, %mul3A_347 : i32
      %swap3A_349 = arith.index_cast %mul3A_348 : i32 to index
      %swap3A_350 = tpu.vector_load %arg8[%swap3A_349] {strides = array<i32>} : memref<8192xf32, #tpu.memory_space<vmem>>, vector<16xf32>,
      tpu.vector_store %arg8[%swap3A_349], %broadcast_in_dim3A_3 {strides = array<i32>} : memref<8192xf32, #tpu.memory_space<vmem>>, vector<16xf32>,
      %mul3A_351 = arith.constant 10 : i32
      %mul3A_352 = arith.muli %scan3A_159, %mul3A_351 : i32
      %add3A_353 = arith.constant 6 : i32
      %add3A_354 = arith.addi %mul3A_352, %add3A_353 : i32
      %mul3A_355 = arith.constant 16 : i32
      %mul3A_356 = arith.muli %add3A_354, %mul3A_355 : i32
      %swap3A_357 = arith.index_cast %mul3A_356 : i32 to index
      %swap3A_358 = tpu.vector_load %arg8[%swap3A_357] {strides = array<i32>} : memref<8192xf32, #tpu.memory_space<vmem>>, vector<16xf32>,
      tpu.vector_store %arg8[%swap3A_357], %broadcast_in_dim3A_3 {strides = array<i32>} : memref<8192xf32, #tpu.memory_space<vmem>>, vector<16xf32>,
      %mul3A_359 = arith.constant 10 : i32
      %mul3A_360 = arith.muli %scan3A_159, %mul3A_359 : i32
      %add3A_361 = arith.constant 7 : i32
      %add3A_362 = arith.addi %mul3A_360, %add3A_361 : i32
      %mul3A_363 = arith.constant 16 : i32
      %mul3A_364 = arith.muli %add3A_362, %mul3A_363 : i32
      %swap3A_365 = arith.index_cast %mul3A_364 : i32 to index
      %swap3A_366 = tpu.vector_load %arg8[%swap3A_365] {strides = array<i32>} : memref<8192xf32, #tpu.memory_space<vmem>>, vector<16xf32>,
      tpu.vector_store %arg8[%swap3A_365], %broadcast_in_dim3A_3 {strides = array<i32>} : memref<8192xf32, #tpu.memory_space<vmem>>, vector<16xf32>,
      %mul3A_367 = arith.constant 10 : i32
      %mul3A_368 = arith.muli %scan3A_159, %mul3A_367 : i32
      %add3A_369 = arith.constant 8 : i32
      %add3A_370 = arith.addi %mul3A_368, %add3A_369 : i32
      %mul3A_371 = arith.constant 16 : i32
      %mul3A_372 = arith.muli %add3A_370, %mul3A_371 : i32
      %swap3A_373 = arith.index_cast %mul3A_372 : i32 to index
      %swap3A_374 = tpu.vector_load %arg8[%swap3A_373] {strides = array<i32>} : memref<8192xf32, #tpu.memory_space<vmem>>, vector<16xf32>,
      tpu.vector_store %arg8[%swap3A_373], %broadcast_in_dim3A_3 {strides = array<i32>} : memref<8192xf32, #tpu.memory_space<vmem>>, vector<16xf32>,
      %mul3A_375 = arith.constant 10 : i32
      %mul3A_376 = arith.muli %scan3A_159, %mul3A_375 : i32
      %add3A_377 = arith.constant 9 : i32
      %add3A_378 = arith.addi %mul3A_376, %add3A_377 : i32
      %mul3A_379 = arith.constant 16 : i32
      %mul3A_380 = arith.muli %add3A_378, %mul3A_379 : i32
      %swap3A_381 = arith.index_cast %mul3A_380 : i32 to index
      %swap3A_382 = tpu.vector_load %arg8[%swap3A_381] {strides = array<i32>} : memref<8192xf32, #tpu.memory_space<vmem>>, vector<16xf32>,
      tpu.vector_store %arg8[%swap3A_381], %broadcast_in_dim3A_3 {strides = array<i32>} : memref<8192xf32, #tpu.memory_space<vmem>>, vector<16xf32>,
      %scatter3A = arith.constant 0 : i32
      %scatter3A_383 = tpu.memref_slice %arg9[%scatter3A] : memref<8192xf32, #tpu.memory_space<vmem>> -> memref<1984xf32, #tpu.memory_space<vmem>>
      tpu.vector_store_idx %scatter3A_383[%add3A_271], %broadcast_in_dim3A_5 {add = true} : memref<1984xf32, #tpu.memory_space<vmem>>[vector<16xi32>], vector<16xf32>,
      %scatter3A_384 = arith.constant 2048 : i32
      %scatter3A_385 = tpu.memref_slice %arg9[%scatter3A_384] : memref<8192xf32, #tpu.memory_space<vmem>> -> memref<1984xf32, #tpu.memory_space<vmem>>
      tpu.vector_store_idx %scatter3A_385[%add3A_272], %broadcast_in_dim3A_5 {add = true} : memref<1984xf32, #tpu.memory_space<vmem>>[vector<16xi32>], vector<16xf32>,
      %scatter3A_386 = arith.constant 4096 : i32
      %scatter3A_387 = tpu.memref_slice %arg9[%scatter3A_386] : memref<8192xf32, #tpu.memory_space<vmem>> -> memref<1984xf32, #tpu.memory_space<vmem>>
      tpu.vector_store_idx %scatter3A_387[%add3A_273], %broadcast_in_dim3A_5 {add = true} : memref<1984xf32, #tpu.memory_space<vmem>>[vector<16xi32>], vector<16xf32>,
      %scatter3A_388 = arith.constant 6144 : i32
      %scatter3A_389 = tpu.memref_slice %arg9[%scatter3A_388] : memref<8192xf32, #tpu.memory_space<vmem>> -> memref<1984xf32, #tpu.memory_space<vmem>>
      tpu.vector_store_idx %scatter3A_389[%add3A_274], %broadcast_in_dim3A_5 {add = true} : memref<1984xf32, #tpu.memory_space<vmem>>[vector<16xi32>], vector<16xf32>,
      %scatter3A_390 = arith.constant 64 : i32
      %scatter3A_391 = tpu.memref_slice %arg9[%scatter3A_390] : memref<8192xf32, #tpu.memory_space<vmem>> -> memref<1984xf32, #tpu.memory_space<vmem>>
      tpu.vector_store_idx %scatter3A_391[%add3A_275], %broadcast_in_dim3A_5 {add = true} : memref<1984xf32, #tpu.memory_space<vmem>>[vector<16xi32>], vector<16xf32>,
      %scatter3A_392 = arith.constant 2112 : i32
      %scatter3A_393 = tpu.memref_slice %arg9[%scatter3A_392] : memref<8192xf32, #tpu.memory_space<vmem>> -> memref<1984xf32, #tpu.memory_space<vmem>>
      tpu.vector_store_idx %scatter3A_393[%add3A_276], %broadcast_in_dim3A_5 {add = true} : memref<1984xf32, #tpu.memory_space<vmem>>[vector<16xi32>], vector<16xf32>,
      %scatter3A_394 = arith.constant 4160 : i32
      %scatter3A_395 = tpu.memref_slice %arg9[%scatter3A_394] : memref<8192xf32, #tpu.memory_space<vmem>> -> memref<1984xf32, #tpu.memory_space<vmem>>
      tpu.vector_store_idx %scatter3A_395[%add3A_277], %broadcast_in_dim3A_5 {add = true} : memref<1984xf32, #tpu.memory_space<vmem>>[vector<16xi32>], vector<16xf32>,
      %scatter3A_396 = arith.constant 6208 : i32
      %scatter3A_397 = tpu.memref_slice %arg9[%scatter3A_396] : memref<8192xf32, #tpu.memory_space<vmem>> -> memref<1984xf32, #tpu.memory_space<vmem>>
      tpu.vector_store_idx %scatter3A_397[%add3A_278], %broadcast_in_dim3A_5 {add = true} : memref<1984xf32, #tpu.memory_space<vmem>>[vector<16xi32>], vector<16xf32>,
      %scatter3A_398 = arith.constant 0 : i32
      %scatter3A_399 = tpu.memref_slice %arg9[%scatter3A_398] : memref<8192xf32, #tpu.memory_space<vmem>> -> memref<1984xf32, #tpu.memory_space<vmem>>
      tpu.vector_store_idx %scatter3A_399[%add3A_279], %broadcast_in_dim3A_5 {add = true} : memref<1984xf32, #tpu.memory_space<vmem>>[vector<16xi32>], vector<16xf32>,
      %scatter3A_400 = arith.constant 2048 : i32
      %scatter3A_401 = tpu.memref_slice %arg9[%scatter3A_400] : memref<8192xf32, #tpu.memory_space<vmem>> -> memref<1984xf32, #tpu.memory_space<vmem>>
      tpu.vector_store_idx %scatter3A_401[%add3A_280], %broadcast_in_dim3A_5 {add = true} : memref<1984xf32, #tpu.memory_space<vmem>>[vector<16xi32>], vector<16xf32>,
      %scatter3A_402 = arith.constant 4096 : i32
      %scatter3A_403 = tpu.memref_slice %arg9[%scatter3A_402] : memref<8192xf32, #tpu.memory_space<vmem>> -> memref<1984xf32, #tpu.memory_space<vmem>>
      tpu.vector_store_idx %scatter3A_403[%add3A_281], %broadcast_in_dim3A_5 {add = true} : memref<1984xf32, #tpu.memory_space<vmem>>[vector<16xi32>], vector<16xf32>,
      %scatter3A_404 = arith.constant 6144 : i32
      %scatter3A_405 = tpu.memref_slice %arg9[%scatter3A_404] : memref<8192xf32, #tpu.memory_space<vmem>> -> memref<1984xf32, #tpu.memory_space<vmem>>
      tpu.vector_store_idx %scatter3A_405[%add3A_282], %broadcast_in_dim3A_5 {add = true} : memref<1984xf32, #tpu.memory_space<vmem>>[vector<16xi32>], vector<16xf32>,
      %scatter3A_406 = arith.constant 64 : i32
      %scatter3A_407 = tpu.memref_slice %arg9[%scatter3A_406] : memref<8192xf32, #tpu.memory_space<vmem>> -> memref<1984xf32, #tpu.memory_space<vmem>>
      tpu.vector_store_idx %scatter3A_407[%add3A_283], %broadcast_in_dim3A_5 {add = true} : memref<1984xf32, #tpu.memory_space<vmem>>[vector<16xi32>], vector<16xf32>,
      %scatter3A_408 = arith.constant 2112 : i32
      %scatter3A_409 = tpu.memref_slice %arg9[%scatter3A_408] : memref<8192xf32, #tpu.memory_space<vmem>> -> memref<1984xf32, #tpu.memory_space<vmem>>
      tpu.vector_store_idx %scatter3A_409[%add3A_284], %broadcast_in_dim3A_5 {add = true} : memref<1984xf32, #tpu.memory_space<vmem>>[vector<16xi32>], vector<16xf32>,
      %scatter3A_410 = arith.constant 4160 : i32
      %scatter3A_411 = tpu.memref_slice %arg9[%scatter3A_410] : memref<8192xf32, #tpu.memory_space<vmem>> -> memref<1984xf32, #tpu.memory_space<vmem>>
      tpu.vector_store_idx %scatter3A_411[%add3A_285], %broadcast_in_dim3A_5 {add = true} : memref<1984xf32, #tpu.memory_space<vmem>>[vector<16xi32>], vector<16xf32>,
      %scatter3A_412 = arith.constant 6208 : i32
      %scatter3A_413 = tpu.memref_slice %arg9[%scatter3A_412] : memref<8192xf32, #tpu.memory_space<vmem>> -> memref<1984xf32, #tpu.memory_space<vmem>>
      tpu.vector_store_idx %scatter3A_413[%add3A_286], %broadcast_in_dim3A_5 {add = true} : memref<1984xf32, #tpu.memory_space<vmem>>[vector<16xi32>], vector<16xf32>,
      %scatter3A_414 = arith.constant 0 : i32
      %scatter3A_415 = tpu.memref_slice %arg9[%scatter3A_414] : memref<8192xf32, #tpu.memory_space<vmem>> -> memref<1984xf32, #tpu.memory_space<vmem>>
      tpu.vector_store_idx %scatter3A_415[%add3A_287], %broadcast_in_dim3A_5 {add = true} : memref<1984xf32, #tpu.memory_space<vmem>>[vector<16xi32>], vector<16xf32>,
      %scatter3A_416 = arith.constant 2048 : i32
      %scatter3A_417 = tpu.memref_slice %arg9[%scatter3A_416] : memref<8192xf32, #tpu.memory_space<vmem>> -> memref<1984xf32, #tpu.memory_space<vmem>>
      tpu.vector_store_idx %scatter3A_417[%add3A_288], %broadcast_in_dim3A_5 {add = true} : memref<1984xf32, #tpu.memory_space<vmem>>[vector<16xi32>], vector<16xf32>,
      %scatter3A_418 = arith.constant 4096 : i32
      %scatter3A_419 = tpu.memref_slice %arg9[%scatter3A_418] : memref<8192xf32, #tpu.memory_space<vmem>> -> memref<1984xf32, #tpu.memory_space<vmem>>
      tpu.vector_store_idx %scatter3A_419[%add3A_289], %broadcast_in_dim3A_5 {add = true} : memref<1984xf32, #tpu.memory_space<vmem>>[vector<16xi32>], vector<16xf32>,
      %scatter3A_420 = arith.constant 6144 : i32
      %scatter3A_421 = tpu.memref_slice %arg9[%scatter3A_420] : memref<8192xf32, #tpu.memory_space<vmem>> -> memref<1984xf32, #tpu.memory_space<vmem>>
      tpu.vector_store_idx %scatter3A_421[%add3A_290], %broadcast_in_dim3A_5 {add = true} : memref<1984xf32, #tpu.memory_space<vmem>>[vector<16xi32>], vector<16xf32>,
      %scatter3A_422 = arith.constant 64 : i32
      %scatter3A_423 = tpu.memref_slice %arg9[%scatter3A_422] : memref<8192xf32, #tpu.memory_space<vmem>> -> memref<1984xf32, #tpu.memory_space<vmem>>
      tpu.vector_store_idx %scatter3A_423[%add3A_291], %broadcast_in_dim3A_5 {add = true} : memref<1984xf32, #tpu.memory_space<vmem>>[vector<16xi32>], vector<16xf32>,
      %scatter3A_424 = arith.constant 2112 : i32
      %scatter3A_425 = tpu.memref_slice %arg9[%scatter3A_424] : memref<8192xf32, #tpu.memory_space<vmem>> -> memref<1984xf32, #tpu.memory_space<vmem>>
      tpu.vector_store_idx %scatter3A_425[%add3A_292], %broadcast_in_dim3A_5 {add = true} : memref<1984xf32, #tpu.memory_space<vmem>>[vector<16xi32>], vector<16xf32>,
      %scatter3A_426 = arith.constant 4160 : i32
      %scatter3A_427 = tpu.memref_slice %arg9[%scatter3A_426] : memref<8192xf32, #tpu.memory_space<vmem>> -> memref<1984xf32, #tpu.memory_space<vmem>>
      tpu.vector_store_idx %scatter3A_427[%add3A_293], %broadcast_in_dim3A_5 {add = true} : memref<1984xf32, #tpu.memory_space<vmem>>[vector<16xi32>], vector<16xf32>,
      %scatter3A_428 = arith.constant 6208 : i32
      %scatter3A_429 = tpu.memref_slice %arg9[%scatter3A_428] : memref<8192xf32, #tpu.memory_space<vmem>> -> memref<1984xf32, #tpu.memory_space<vmem>>
      tpu.vector_store_idx %scatter3A_429[%add3A_294], %broadcast_in_dim3A_5 {add = true} : memref<1984xf32, #tpu.memory_space<vmem>>[vector<16xi32>], vector<16xf32>,
      %scatter3A_430 = arith.constant 0 : i32
      %scatter3A_431 = tpu.memref_slice %arg9[%scatter3A_430] : memref<8192xf32, #tpu.memory_space<vmem>> -> memref<1984xf32, #tpu.memory_space<vmem>>
      tpu.vector_store_idx %scatter3A_431[%add3A_295], %broadcast_in_dim3A_5 {add = true} : memref<1984xf32, #tpu.memory_space<vmem>>[vector<16xi32>], vector<16xf32>,
      %scatter3A_432 = arith.constant 2048 : i32
      %scatter3A_433 = tpu.memref_slice %arg9[%scatter3A_432] : memref<8192xf32, #tpu.memory_space<vmem>> -> memref<1984xf32, #tpu.memory_space<vmem>>
      tpu.vector_store_idx %scatter3A_433[%add3A_296], %broadcast_in_dim3A_5 {add = true} : memref<1984xf32, #tpu.memory_space<vmem>>[vector<16xi32>], vector<16xf32>,
      %scatter3A_434 = arith.constant 4096 : i32
      %scatter3A_435 = tpu.memref_slice %arg9[%scatter3A_434] : memref<8192xf32, #tpu.memory_space<vmem>> -> memref<1984xf32, #tpu.memory_space<vmem>>
      tpu.vector_store_idx %scatter3A_435[%add3A_297], %broadcast_in_dim3A_5 {add = true} : memref<1984xf32, #tpu.memory_space<vmem>>[vector<16xi32>], vector<16xf32>,
      %scatter3A_436 = arith.constant 6144 : i32
      %scatter3A_437 = tpu.memref_slice %arg9[%scatter3A_436] : memref<8192xf32, #tpu.memory_space<vmem>> -> memref<1984xf32, #tpu.memory_space<vmem>>
      tpu.vector_store_idx %scatter3A_437[%add3A_298], %broadcast_in_dim3A_5 {add = true} : memref<1984xf32, #tpu.memory_space<vmem>>[vector<16xi32>], vector<16xf32>,
      %scatter3A_438 = arith.constant 64 : i32
      %scatter3A_439 = tpu.memref_slice %arg9[%scatter3A_438] : memref<8192xf32, #tpu.memory_space<vmem>> -> memref<1984xf32, #tpu.memory_space<vmem>>
      tpu.vector_store_idx %scatter3A_439[%add3A_299], %broadcast_in_dim3A_5 {add = true} : memref<1984xf32, #tpu.memory_space<vmem>>[vector<16xi32>], vector<16xf32>,
      %scatter3A_440 = arith.constant 2112 : i32
      %scatter3A_441 = tpu.memref_slice %arg9[%scatter3A_440] : memref<8192xf32, #tpu.memory_space<vmem>> -> memref<1984xf32, #tpu.memory_space<vmem>>
      tpu.vector_store_idx %scatter3A_441[%add3A_300], %broadcast_in_dim3A_5 {add = true} : memref<1984xf32, #tpu.memory_space<vmem>>[vector<16xi32>], vector<16xf32>,
      %scatter3A_442 = arith.constant 4160 : i32
      %scatter3A_443 = tpu.memref_slice %arg9[%scatter3A_442] : memref<8192xf32, #tpu.memory_space<vmem>> -> memref<1984xf32, #tpu.memory_space<vmem>>
      tpu.vector_store_idx %scatter3A_443[%add3A_301], %broadcast_in_dim3A_5 {add = true} : memref<1984xf32, #tpu.memory_space<vmem>>[vector<16xi32>], vector<16xf32>,
      %scatter3A_444 = arith.constant 6208 : i32
      %scatter3A_445 = tpu.memref_slice %arg9[%scatter3A_444] : memref<8192xf32, #tpu.memory_space<vmem>> -> memref<1984xf32, #tpu.memory_space<vmem>>
      tpu.vector_store_idx %scatter3A_445[%add3A_302], %broadcast_in_dim3A_5 {add = true} : memref<1984xf32, #tpu.memory_space<vmem>>[vector<16xi32>], vector<16xf32>,
    }
    %scan3A_61 = arith.constant 50 : i32
    %swap3A = arith.constant 8000 : index
    %swap3A_62 = tpu.vector_load %arg8[%swap3A] {strides = array<i32>} : memref<8192xf32, #tpu.memory_space<vmem>>, vector<16xf32>,
    tpu.vector_store %arg8[%swap3A], %broadcast_in_dim3A_3 {strides = array<i32>} : memref<8192xf32, #tpu.memory_space<vmem>>, vector<16xf32>,
    %swap3A_63 = arith.constant 8016 : index
    %swap3A_64 = tpu.vector_load %arg8[%swap3A_63] {strides = array<i32>} : memref<8192xf32, #tpu.memory_space<vmem>>, vector<16xf32>,
    tpu.vector_store %arg8[%swap3A_63], %broadcast_in_dim3A_3 {strides = array<i32>} : memref<8192xf32, #tpu.memory_space<vmem>>, vector<16xf32>,
    %swap3A_65 = arith.constant 8032 : index
    %swap3A_66 = tpu.vector_load %arg8[%swap3A_65] {strides = array<i32>} : memref<8192xf32, #tpu.memory_space<vmem>>, vector<16xf32>,
    tpu.vector_store %arg8[%swap3A_65], %broadcast_in_dim3A_3 {strides = array<i32>} : memref<8192xf32, #tpu.memory_space<vmem>>, vector<16xf32>,
    %swap3A_67 = arith.constant 8048 : index
    %swap3A_68 = tpu.vector_load %arg8[%swap3A_67] {strides = array<i32>} : memref<8192xf32, #tpu.memory_space<vmem>>, vector<16xf32>,
    tpu.vector_store %arg8[%swap3A_67], %broadcast_in_dim3A_3 {strides = array<i32>} : memref<8192xf32, #tpu.memory_space<vmem>>, vector<16xf32>,
    %swap3A_69 = arith.constant 8064 : index
    %swap3A_70 = tpu.vector_load %arg8[%swap3A_69] {strides = array<i32>} : memref<8192xf32, #tpu.memory_space<vmem>>, vector<16xf32>,
    tpu.vector_store %arg8[%swap3A_69], %broadcast_in_dim3A_3 {strides = array<i32>} : memref<8192xf32, #tpu.memory_space<vmem>>, vector<16xf32>,
    %swap3A_71 = arith.constant 8080 : index
    %swap3A_72 = tpu.vector_load %arg8[%swap3A_71] {strides = array<i32>} : memref<8192xf32, #tpu.memory_space<vmem>>, vector<16xf32>,
    tpu.vector_store %arg8[%swap3A_71], %broadcast_in_dim3A_3 {strides = array<i32>} : memref<8192xf32, #tpu.memory_space<vmem>>, vector<16xf32>,
    %swap3A_73 = arith.constant 8096 : index
    %swap3A_74 = tpu.vector_load %arg8[%swap3A_73] {strides = array<i32>} : memref<8192xf32, #tpu.memory_space<vmem>>, vector<16xf32>,
    tpu.vector_store %arg8[%swap3A_73], %broadcast_in_dim3A_3 {strides = array<i32>} : memref<8192xf32, #tpu.memory_space<vmem>>, vector<16xf32>,
    %swap3A_75 = arith.constant 8112 : index
    %swap3A_76 = tpu.vector_load %arg8[%swap3A_75] {strides = array<i32>} : memref<8192xf32, #tpu.memory_space<vmem>>, vector<16xf32>,
    tpu.vector_store %arg8[%swap3A_75], %broadcast_in_dim3A_3 {strides = array<i32>} : memref<8192xf32, #tpu.memory_space<vmem>>, vector<16xf32>,
    %swap3A_77 = arith.constant 8128 : index
    %swap3A_78 = tpu.vector_load %arg8[%swap3A_77] {strides = array<i32>} : memref<8192xf32, #tpu.memory_space<vmem>>, vector<16xf32>,
    tpu.vector_store %arg8[%swap3A_77], %broadcast_in_dim3A_3 {strides = array<i32>} : memref<8192xf32, #tpu.memory_space<vmem>>, vector<16xf32>,
    %swap3A_79 = arith.constant 8144 : index
    %swap3A_80 = tpu.vector_load %arg8[%swap3A_79] {strides = array<i32>} : memref<8192xf32, #tpu.memory_space<vmem>>, vector<16xf32>,
    tpu.vector_store %arg8[%swap3A_79], %broadcast_in_dim3A_3 {strides = array<i32>} : memref<8192xf32, #tpu.memory_space<vmem>>, vector<16xf32>,
    %swap3A_81 = arith.constant 8160 : index
    %swap3A_82 = tpu.vector_load %arg8[%swap3A_81] {strides = array<i32>} : memref<8192xf32, #tpu.memory_space<vmem>>, vector<16xf32>,
    tpu.vector_store %arg8[%swap3A_81], %broadcast_in_dim3A_3 {strides = array<i32>} : memref<8192xf32, #tpu.memory_space<vmem>>, vector<16xf32>,
    %swap3A_83 = arith.constant 8176 : index
    %swap3A_84 = tpu.vector_load %arg8[%swap3A_83] {strides = array<i32>} : memref<8192xf32, #tpu.memory_space<vmem>>, vector<16xf32>,
    tpu.vector_store %arg8[%swap3A_83], %broadcast_in_dim3A_3 {strides = array<i32>} : memref<8192xf32, #tpu.memory_space<vmem>>, vector<16xf32>,
    %add3A_85 = arith.constant 64 : i32
    %add3A_86 = arith.addi %mul3A_2, %add3A_85 : i32
    %mul3A_87 = arith.constant 2 : i32
    %mul3A_88 = arith.muli %add3A_86, %mul3A_87 : i32
    %mul3A_89 = arith.constant 64 : i32
    %mul3A_90 = arith.muli %mul3A_88, %mul3A_89 : i32
    %dma_start3A_91 = tpu.memref_slice %arg3[%mul3A_90] : memref<1048576xf32, #tpu.memory_space<hbm>> -> memref<8192xf32, #tpu.memory_space<hbm>>
    %dma_start3A_92 = tpu.memref_slice %arg3[%mul3A_90] : memref<1048576xf32, #tpu.memory_space<hbm>> -> memref<8192xf32, #tpu.memory_space<hbm>>
    tpu.enqueue_dma source(%arg9 : memref<8192xf32, #tpu.memory_space<vmem>>) target(%dma_start3A_92 : memref<8192xf32, #tpu.memory_space<hbm>>) target_semaphore(%arg13 : memref<!tpu.dma_semaphore, #tpu.memory_space<semaphore_mem>>)
    %dma_wait3A_93 = arith.constant 0 : i32
    %dma_wait3A_94 = tpu.memref_slice %arg2[%dma_wait3A_93, %add3A_30] : memref<200x16384xi32, #tpu.memory_space<hbm>> -> memref<200x128xi32, #tpu.memory_space<hbm>>
    %dma_wait3A_95 = arith.constant 0 : i32
    %dma_wait3A_96 = tpu.memref_slice %arg2[%dma_wait3A_95, %add3A_30] : memref<200x16384xi32, #tpu.memory_space<hbm>> -> memref<200x128xi32, #tpu.memory_space<hbm>>
    tpu.wait_dma2 semaphore(%arg11 : memref<!tpu.dma_semaphore, #tpu.memory_space<semaphore_mem>>) src(%dma_wait3A_96 : memref<200x128xi32, #tpu.memory_space<hbm>>) dst(%arg5 : memref<200x128xi32, #tpu.memory_space<vmem>>)
    %dma_wait3A_97 = arith.constant 0 : i32
    %dma_wait3A_98 = tpu.memref_slice %arg2[%dma_wait3A_97, %add3A_36] : memref<200x16384xi32, #tpu.memory_space<hbm>> -> memref<200x128xi32, #tpu.memory_space<hbm>>
    %dma_wait3A_99 = arith.constant 0 : i32
    %dma_wait3A_100 = tpu.memref_slice %arg2[%dma_wait3A_99, %add3A_36] : memref<200x16384xi32, #tpu.memory_space<hbm>> -> memref<200x128xi32, #tpu.memory_space<hbm>>
    tpu.wait_dma2 semaphore(%arg11 : memref<!tpu.dma_semaphore, #tpu.memory_space<semaphore_mem>>) src(%dma_wait3A_100 : memref<200x128xi32, #tpu.memory_space<hbm>>) dst(%arg7 : memref<200x128xi32, #tpu.memory_space<vmem>>)
    %dma_wait3A_101 = tpu.memref_slice %arg3[%mul3A_90] : memref<1048576xf32, #tpu.memory_space<hbm>> -> memref<8192xf32, #tpu.memory_space<hbm>>
    %dma_wait3A_102 = tpu.memref_slice %arg3[%mul3A_90] : memref<1048576xf32, #tpu.memory_space<hbm>> -> memref<8192xf32, #tpu.memory_space<hbm>>
    tpu.wait_dma2 semaphore(%arg13 : memref<!tpu.dma_semaphore, #tpu.memory_space<semaphore_mem>>) src(%arg9 : memref<8192xf32, #tpu.memory_space<vmem>>) dst(%dma_wait3A_102 : memref<8192xf32, #tpu.memory_space<hbm>>)
    %scan3A_103 = arith.constant 0 : i32
    %scan3A_104 = arith.constant 0 : i32
    %scan3A_105 = arith.constant 50 : i32
    %scan3A_106 = arith.addi %scan3A_104, %scan3A_105 : i32
    %scan3A_107 = arith.constant 1 : i32
    scf.for %scan3A_159 = %scan3A_104 to %scan3A_106 step %scan3A_107  : i32 {
      %mul3A_160 = arith.constant 4 : i32
      %mul3A_161 = arith.muli %scan3A_159, %mul3A_160 : i32
      %add3A_162 = arith.constant 0 : i32
      %add3A_163 = arith.addi %mul3A_161, %add3A_162 : i32
      %get3A = arith.index_cast %add3A_163 : i32 to index
      %get3A_164 = arith.constant 0 : index
      %get3A_165 = tpu.vector_load %arg5[%get3A, %get3A_164] {strides = array<i32>} : memref<200x128xi32, #tpu.memory_space<vmem>>, vector<16xi32>,
      %get3A_166 = arith.index_cast %add3A_163 : i32 to index
      %get3A_167 = arith.constant 16 : index
      %get3A_168 = tpu.vector_load %arg5[%get3A_166, %get3A_167] {strides = array<i32>} : memref<200x128xi32, #tpu.memory_space<vmem>>, vector<16xi32>,
      %get3A_169 = arith.index_cast %add3A_163 : i32 to index
      %get3A_170 = arith.constant 32 : index
      %get3A_171 = tpu.vector_load %arg5[%get3A_169, %get3A_170] {strides = array<i32>} : memref<200x128xi32, #tpu.memory_space<vmem>>, vector<16xi32>,
      %get3A_172 = arith.index_cast %add3A_163 : i32 to index
      %get3A_173 = arith.constant 48 : index
      %get3A_174 = tpu.vector_load %arg5[%get3A_172, %get3A_173] {strides = array<i32>} : memref<200x128xi32, #tpu.memory_space<vmem>>, vector<16xi32>,
      %get3A_175 = arith.index_cast %add3A_163 : i32 to index
      %get3A_176 = arith.constant 0 : index
      %get3A_177 = tpu.vector_load %arg7[%get3A_175, %get3A_176] {strides = array<i32>} : memref<200x128xi32, #tpu.memory_space<vmem>>, vector<16xi32>,
      %get3A_178 = arith.index_cast %add3A_163 : i32 to index
      %get3A_179 = arith.constant 16 : index
      %get3A_180 = tpu.vector_load %arg7[%get3A_178, %get3A_179] {strides = array<i32>} : memref<200x128xi32, #tpu.memory_space<vmem>>, vector<16xi32>,
      %get3A_181 = arith.index_cast %add3A_163 : i32 to index
      %get3A_182 = arith.constant 32 : index
      %get3A_183 = tpu.vector_load %arg7[%get3A_181, %get3A_182] {strides = array<i32>} : memref<200x128xi32, #tpu.memory_space<vmem>>, vector<16xi32>,
      %get3A_184 = arith.index_cast %add3A_163 : i32 to index
      %get3A_185 = arith.constant 48 : index
      %get3A_186 = tpu.vector_load %arg7[%get3A_184, %get3A_185] {strides = array<i32>} : memref<200x128xi32, #tpu.memory_space<vmem>>, vector<16xi32>,
      %mul3A_187 = arith.constant 4 : i32
      %mul3A_188 = arith.muli %scan3A_159, %mul3A_187 : i32
      %add3A_189 = arith.constant 1 : i32
      %add3A_190 = arith.addi %mul3A_188, %add3A_189 : i32
      %get3A_191 = arith.index_cast %add3A_190 : i32 to index
      %get3A_192 = arith.constant 0 : index
      %get3A_193 = tpu.vector_load %arg5[%get3A_191, %get3A_192] {strides = array<i32>} : memref<200x128xi32, #tpu.memory_space<vmem>>, vector<16xi32>,
      %get3A_194 = arith.index_cast %add3A_190 : i32 to index
      %get3A_195 = arith.constant 16 : index
      %get3A_196 = tpu.vector_load %arg5[%get3A_194, %get3A_195] {strides = array<i32>} : memref<200x128xi32, #tpu.memory_space<vmem>>, vector<16xi32>,
      %get3A_197 = arith.index_cast %add3A_190 : i32 to index
      %get3A_198 = arith.constant 32 : index
      %get3A_199 = tpu.vector_load %arg5[%get3A_197, %get3A_198] {strides = array<i32>} : memref<200x128xi32, #tpu.memory_space<vmem>>, vector<16xi32>,
      %get3A_200 = arith.index_cast %add3A_190 : i32 to index
      %get3A_201 = arith.constant 48 : index
      %get3A_202 = tpu.vector_load %arg5[%get3A_200, %get3A_201] {strides = array<i32>} : memref<200x128xi32, #tpu.memory_space<vmem>>, vector<16xi32>,
      %get3A_203 = arith.index_cast %add3A_190 : i32 to index
      %get3A_204 = arith.constant 0 : index
      %get3A_205 = tpu.vector_load %arg7[%get3A_203, %get3A_204] {strides = array<i32>} : memref<200x128xi32, #tpu.memory_space<vmem>>, vector<16xi32>,
      %get3A_206 = arith.index_cast %add3A_190 : i32 to index
      %get3A_207 = arith.constant 16 : index
      %get3A_208 = tpu.vector_load %arg7[%get3A_206, %get3A_207] {strides = array<i32>} : memref<200x128xi32, #tpu.memory_space<vmem>>, vector<16xi32>,
      %get3A_209 = arith.index_cast %add3A_190 : i32 to index
      %get3A_210 = arith.constant 32 : index
      %get3A_211 = tpu.vector_load %arg7[%get3A_209, %get3A_210] {strides = array<i32>} : memref<200x128xi32, #tpu.memory_space<vmem>>, vector<16xi32>,
      %get3A_212 = arith.index_cast %add3A_190 : i32 to index
      %get3A_213 = arith.constant 48 : index
      %get3A_214 = tpu.vector_load %arg7[%get3A_212, %get3A_213] {strides = array<i32>} : memref<200x128xi32, #tpu.memory_space<vmem>>, vector<16xi32>,
      %mul3A_215 = arith.constant 4 : i32
      %mul3A_216 = arith.muli %scan3A_159, %mul3A_215 : i32
      %add3A_217 = arith.constant 2 : i32
      %add3A_218 = arith.addi %mul3A_216, %add3A_217 : i32
      %get3A_219 = arith.index_cast %add3A_218 : i32 to index
      %get3A_220 = arith.constant 0 : index
      %get3A_221 = tpu.vector_load %arg5[%get3A_219, %get3A_220] {strides = array<i32>} : memref<200x128xi32, #tpu.memory_space<vmem>>, vector<16xi32>,
      %get3A_222 = arith.index_cast %add3A_218 : i32 to index
      %get3A_223 = arith.constant 16 : index
      %get3A_224 = tpu.vector_load %arg5[%get3A_222, %get3A_223] {strides = array<i32>} : memref<200x128xi32, #tpu.memory_space<vmem>>, vector<16xi32>,
      %get3A_225 = arith.index_cast %add3A_218 : i32 to index
      %get3A_226 = arith.constant 32 : index
      %get3A_227 = tpu.vector_load %arg5[%get3A_225, %get3A_226] {strides = array<i32>} : memref<200x128xi32, #tpu.memory_space<vmem>>, vector<16xi32>,
      %get3A_228 = arith.index_cast %add3A_218 : i32 to index
      %get3A_229 = arith.constant 48 : index
      %get3A_230 = tpu.vector_load %arg5[%get3A_228, %get3A_229] {strides = array<i32>} : memref<200x128xi32, #tpu.memory_space<vmem>>, vector<16xi32>,
      %get3A_231 = arith.index_cast %add3A_218 : i32 to index
      %get3A_232 = arith.constant 0 : index
      %get3A_233 = tpu.vector_load %arg7[%get3A_231, %get3A_232] {strides = array<i32>} : memref<200x128xi32, #tpu.memory_space<vmem>>, vector<16xi32>,
      %get3A_234 = arith.index_cast %add3A_218 : i32 to index
      %get3A_235 = arith.constant 16 : index
      %get3A_236 = tpu.vector_load %arg7[%get3A_234, %get3A_235] {strides = array<i32>} : memref<200x128xi32, #tpu.memory_space<vmem>>, vector<16xi32>,
      %get3A_237 = arith.index_cast %add3A_218 : i32 to index
      %get3A_238 = arith.constant 32 : index
      %get3A_239 = tpu.vector_load %arg7[%get3A_237, %get3A_238] {strides = array<i32>} : memref<200x128xi32, #tpu.memory_space<vmem>>, vector<16xi32>,
      %get3A_240 = arith.index_cast %add3A_218 : i32 to index
      %get3A_241 = arith.constant 48 : index
      %get3A_242 = tpu.vector_load %arg7[%get3A_240, %get3A_241] {strides = array<i32>} : memref<200x128xi32, #tpu.memory_space<vmem>>, vector<16xi32>,
      %mul3A_243 = arith.constant 4 : i32
      %mul3A_244 = arith.muli %scan3A_159, %mul3A_243 : i32
      %add3A_245 = arith.constant 3 : i32
      %add3A_246 = arith.addi %mul3A_244, %add3A_245 : i32
      %get3A_247 = arith.index_cast %add3A_246 : i32 to index
      %get3A_248 = arith.constant 0 : index
      %get3A_249 = tpu.vector_load %arg5[%get3A_247, %get3A_248] {strides = array<i32>} : memref<200x128xi32, #tpu.memory_space<vmem>>, vector<16xi32>,
      %get3A_250 = arith.index_cast %add3A_246 : i32 to index
      %get3A_251 = arith.constant 16 : index
      %get3A_252 = tpu.vector_load %arg5[%get3A_250, %get3A_251] {strides = array<i32>} : memref<200x128xi32, #tpu.memory_space<vmem>>, vector<16xi32>,
      %get3A_253 = arith.index_cast %add3A_246 : i32 to index
      %get3A_254 = arith.constant 32 : index
      %get3A_255 = tpu.vector_load %arg5[%get3A_253, %get3A_254] {strides = array<i32>} : memref<200x128xi32, #tpu.memory_space<vmem>>, vector<16xi32>,
      %get3A_256 = arith.index_cast %add3A_246 : i32 to index
      %get3A_257 = arith.constant 48 : index
      %get3A_258 = tpu.vector_load %arg5[%get3A_256, %get3A_257] {strides = array<i32>} : memref<200x128xi32, #tpu.memory_space<vmem>>, vector<16xi32>,
      %get3A_259 = arith.index_cast %add3A_246 : i32 to index
      %get3A_260 = arith.constant 0 : index
      %get3A_261 = tpu.vector_load %arg7[%get3A_259, %get3A_260] {strides = array<i32>} : memref<200x128xi32, #tpu.memory_space<vmem>>, vector<16xi32>,
      %get3A_262 = arith.index_cast %add3A_246 : i32 to index
      %get3A_263 = arith.constant 16 : index
      %get3A_264 = tpu.vector_load %arg7[%get3A_262, %get3A_263] {strides = array<i32>} : memref<200x128xi32, #tpu.memory_space<vmem>>, vector<16xi32>,
      %get3A_265 = arith.index_cast %add3A_246 : i32 to index
      %get3A_266 = arith.constant 32 : index
      %get3A_267 = tpu.vector_load %arg7[%get3A_265, %get3A_266] {strides = array<i32>} : memref<200x128xi32, #tpu.memory_space<vmem>>, vector<16xi32>,
      %get3A_268 = arith.index_cast %add3A_246 : i32 to index
      %get3A_269 = arith.constant 48 : index
      %get3A_270 = tpu.vector_load %arg7[%get3A_268, %get3A_269] {strides = array<i32>} : memref<200x128xi32, #tpu.memory_space<vmem>>, vector<16xi32>,
      %add3A_271 = arith.addi %mul3A_8, %get3A_165 : vector<16xi32>
      %add3A_272 = arith.addi %mul3A_8, %get3A_168 : vector<16xi32>
      %add3A_273 = arith.addi %mul3A_8, %get3A_171 : vector<16xi32>
      %add3A_274 = arith.addi %mul3A_8, %get3A_174 : vector<16xi32>
      %add3A_275 = arith.addi %mul3A_8, %get3A_177 : vector<16xi32>
      %add3A_276 = arith.addi %mul3A_8, %get3A_180 : vector<16xi32>
      %add3A_277 = arith.addi %mul3A_8, %get3A_183 : vector<16xi32>
      %add3A_278 = arith.addi %mul3A_8, %get3A_186 : vector<16xi32>
      %add3A_279 = arith.addi %mul3A_8, %get3A_193 : vector<16xi32>
      %add3A_280 = arith.addi %mul3A_8, %get3A_196 : vector<16xi32>
      %add3A_281 = arith.addi %mul3A_8, %get3A_199 : vector<16xi32>
      %add3A_282 = arith.addi %mul3A_8, %get3A_202 : vector<16xi32>
      %add3A_283 = arith.addi %mul3A_8, %get3A_205 : vector<16xi32>
      %add3A_284 = arith.addi %mul3A_8, %get3A_208 : vector<16xi32>
      %add3A_285 = arith.addi %mul3A_8, %get3A_211 : vector<16xi32>
      %add3A_286 = arith.addi %mul3A_8, %get3A_214 : vector<16xi32>
      %add3A_287 = arith.addi %mul3A_8, %get3A_221 : vector<16xi32>
      %add3A_288 = arith.addi %mul3A_8, %get3A_224 : vector<16xi32>
      %add3A_289 = arith.addi %mul3A_8, %get3A_227 : vector<16xi32>
      %add3A_290 = arith.addi %mul3A_8, %get3A_230 : vector<16xi32>
      %add3A_291 = arith.addi %mul3A_8, %get3A_233 : vector<16xi32>
      %add3A_292 = arith.addi %mul3A_8, %get3A_236 : vector<16xi32>
      %add3A_293 = arith.addi %mul3A_8, %get3A_239 : vector<16xi32>
      %add3A_294 = arith.addi %mul3A_8, %get3A_242 : vector<16xi32>
      %add3A_295 = arith.addi %mul3A_8, %get3A_249 : vector<16xi32>
      %add3A_296 = arith.addi %mul3A_8, %get3A_252 : vector<16xi32>
      %add3A_297 = arith.addi %mul3A_8, %get3A_255 : vector<16xi32>
      %add3A_298 = arith.addi %mul3A_8, %get3A_258 : vector<16xi32>
      %add3A_299 = arith.addi %mul3A_8, %get3A_261 : vector<16xi32>
      %add3A_300 = arith.addi %mul3A_8, %get3A_264 : vector<16xi32>
      %add3A_301 = arith.addi %mul3A_8, %get3A_267 : vector<16xi32>
      %add3A_302 = arith.addi %mul3A_8, %get3A_270 : vector<16xi32>
      %mul3A_303 = arith.constant 10 : i32
      %mul3A_304 = arith.muli %scan3A_159, %mul3A_303 : i32
      %add3A_305 = arith.constant 0 : i32
      %add3A_306 = arith.addi %mul3A_304, %add3A_305 : i32
      %mul3A_307 = arith.constant 16 : i32
      %mul3A_308 = arith.muli %add3A_306, %mul3A_307 : i32
      %swap3A_309 = arith.index_cast %mul3A_308 : i32 to index
      %swap3A_310 = tpu.vector_load %arg9[%swap3A_309] {strides = array<i32>} : memref<8192xf32, #tpu.memory_space<vmem>>, vector<16xf32>,
      tpu.vector_store %arg9[%swap3A_309], %broadcast_in_dim3A_3 {strides = array<i32>} : memref<8192xf32, #tpu.memory_space<vmem>>, vector<16xf32>,
      %mul3A_311 = arith.constant 10 : i32
      %mul3A_312 = arith.muli %scan3A_159, %mul3A_311 : i32
      %add3A_313 = arith.constant 1 : i32
      %add3A_314 = arith.addi %mul3A_312, %add3A_313 : i32
      %mul3A_315 = arith.constant 16 : i32
      %mul3A_316 = arith.muli %add3A_314, %mul3A_315 : i32
      %swap3A_317 = arith.index_cast %mul3A_316 : i32 to index
      %swap3A_318 = tpu.vector_load %arg9[%swap3A_317] {strides = array<i32>} : memref<8192xf32, #tpu.memory_space<vmem>>, vector<16xf32>,
      tpu.vector_store %arg9[%swap3A_317], %broadcast_in_dim3A_3 {strides = array<i32>} : memref<8192xf32, #tpu.memory_space<vmem>>, vector<16xf32>,
      %mul3A_319 = arith.constant 10 : i32
      %mul3A_320 = arith.muli %scan3A_159, %mul3A_319 : i32
      %add3A_321 = arith.constant 2 : i32
      %add3A_322 = arith.addi %mul3A_320, %add3A_321 : i32
      %mul3A_323 = arith.constant 16 : i32
      %mul3A_324 = arith.muli %add3A_322, %mul3A_323 : i32
      %swap3A_325 = arith.index_cast %mul3A_324 : i32 to index
      %swap3A_326 = tpu.vector_load %arg9[%swap3A_325] {strides = array<i32>} : memref<8192xf32, #tpu.memory_space<vmem>>, vector<16xf32>,
      tpu.vector_store %arg9[%swap3A_325], %broadcast_in_dim3A_3 {strides = array<i32>} : memref<8192xf32, #tpu.memory_space<vmem>>, vector<16xf32>,
      %mul3A_327 = arith.constant 10 : i32
      %mul3A_328 = arith.muli %scan3A_159, %mul3A_327 : i32
      %add3A_329 = arith.constant 3 : i32
      %add3A_330 = arith.addi %mul3A_328, %add3A_329 : i32
      %mul3A_331 = arith.constant 16 : i32
      %mul3A_332 = arith.muli %add3A_330, %mul3A_331 : i32
      %swap3A_333 = arith.index_cast %mul3A_332 : i32 to index
      %swap3A_334 = tpu.vector_load %arg9[%swap3A_333] {strides = array<i32>} : memref<8192xf32, #tpu.memory_space<vmem>>, vector<16xf32>,
      tpu.vector_store %arg9[%swap3A_333], %broadcast_in_dim3A_3 {strides = array<i32>} : memref<8192xf32, #tpu.memory_space<vmem>>, vector<16xf32>,
      %mul3A_335 = arith.constant 10 : i32
      %mul3A_336 = arith.muli %scan3A_159, %mul3A_335 : i32
      %add3A_337 = arith.constant 4 : i32
      %add3A_338 = arith.addi %mul3A_336, %add3A_337 : i32
      %mul3A_339 = arith.constant 16 : i32
      %mul3A_340 = arith.muli %add3A_338, %mul3A_339 : i32
      %swap3A_341 = arith.index_cast %mul3A_340 : i32 to index
      %swap3A_342 = tpu.vector_load %arg9[%swap3A_341] {strides = array<i32>} : memref<8192xf32, #tpu.memory_space<vmem>>, vector<16xf32>,
      tpu.vector_store %arg9[%swap3A_341], %broadcast_in_dim3A_3 {strides = array<i32>} : memref<8192xf32, #tpu.memory_space<vmem>>, vector<16xf32>,
      %mul3A_343 = arith.constant 10 : i32
      %mul3A_344 = arith.muli %scan3A_159, %mul3A_343 : i32
      %add3A_345 = arith.constant 5 : i32
      %add3A_346 = arith.addi %mul3A_344, %add3A_345 : i32
      %mul3A_347 = arith.constant 16 : i32
      %mul3A_348 = arith.muli %add3A_346, %mul3A_347 : i32
      %swap3A_349 = arith.index_cast %mul3A_348 : i32 to index
      %swap3A_350 = tpu.vector_load %arg9[%swap3A_349] {strides = array<i32>} : memref<8192xf32, #tpu.memory_space<vmem>>, vector<16xf32>,
      tpu.vector_store %arg9[%swap3A_349], %broadcast_in_dim3A_3 {strides = array<i32>} : memref<8192xf32, #tpu.memory_space<vmem>>, vector<16xf32>,
      %mul3A_351 = arith.constant 10 : i32
      %mul3A_352 = arith.muli %scan3A_159, %mul3A_351 : i32
      %add3A_353 = arith.constant 6 : i32
      %add3A_354 = arith.addi %mul3A_352, %add3A_353 : i32
      %mul3A_355 = arith.constant 16 : i32
      %mul3A_356 = arith.muli %add3A_354, %mul3A_355 : i32
      %swap3A_357 = arith.index_cast %mul3A_356 : i32 to index
      %swap3A_358 = tpu.vector_load %arg9[%swap3A_357] {strides = array<i32>} : memref<8192xf32, #tpu.memory_space<vmem>>, vector<16xf32>,
      tpu.vector_store %arg9[%swap3A_357], %broadcast_in_dim3A_3 {strides = array<i32>} : memref<8192xf32, #tpu.memory_space<vmem>>, vector<16xf32>,
      %mul3A_359 = arith.constant 10 : i32
      %mul3A_360 = arith.muli %scan3A_159, %mul3A_359 : i32
      %add3A_361 = arith.constant 7 : i32
      %add3A_362 = arith.addi %mul3A_360, %add3A_361 : i32
      %mul3A_363 = arith.constant 16 : i32
      %mul3A_364 = arith.muli %add3A_362, %mul3A_363 : i32
      %swap3A_365 = arith.index_cast %mul3A_364 : i32 to index
      %swap3A_366 = tpu.vector_load %arg9[%swap3A_365] {strides = array<i32>} : memref<8192xf32, #tpu.memory_space<vmem>>, vector<16xf32>,
      tpu.vector_store %arg9[%swap3A_365], %broadcast_in_dim3A_3 {strides = array<i32>} : memref<8192xf32, #tpu.memory_space<vmem>>, vector<16xf32>,
      %mul3A_367 = arith.constant 10 : i32
      %mul3A_368 = arith.muli %scan3A_159, %mul3A_367 : i32
      %add3A_369 = arith.constant 8 : i32
      %add3A_370 = arith.addi %mul3A_368, %add3A_369 : i32
      %mul3A_371 = arith.constant 16 : i32
      %mul3A_372 = arith.muli %add3A_370, %mul3A_371 : i32
      %swap3A_373 = arith.index_cast %mul3A_372 : i32 to index
      %swap3A_374 = tpu.vector_load %arg9[%swap3A_373] {strides = array<i32>} : memref<8192xf32, #tpu.memory_space<vmem>>, vector<16xf32>,
      tpu.vector_store %arg9[%swap3A_373], %broadcast_in_dim3A_3 {strides = array<i32>} : memref<8192xf32, #tpu.memory_space<vmem>>, vector<16xf32>,
      %mul3A_375 = arith.constant 10 : i32
      %mul3A_376 = arith.muli %scan3A_159, %mul3A_375 : i32
      %add3A_377 = arith.constant 9 : i32
      %add3A_378 = arith.addi %mul3A_376, %add3A_377 : i32
      %mul3A_379 = arith.constant 16 : i32
      %mul3A_380 = arith.muli %add3A_378, %mul3A_379 : i32
      %swap3A_381 = arith.index_cast %mul3A_380 : i32 to index
      %swap3A_382 = tpu.vector_load %arg9[%swap3A_381] {strides = array<i32>} : memref<8192xf32, #tpu.memory_space<vmem>>, vector<16xf32>,
      tpu.vector_store %arg9[%swap3A_381], %broadcast_in_dim3A_3 {strides = array<i32>} : memref<8192xf32, #tpu.memory_space<vmem>>, vector<16xf32>,
      %scatter3A = arith.constant 0 : i32
      %scatter3A_383 = tpu.memref_slice %arg8[%scatter3A] : memref<8192xf32, #tpu.memory_space<vmem>> -> memref<1984xf32, #tpu.memory_space<vmem>>
      tpu.vector_store_idx %scatter3A_383[%add3A_271], %broadcast_in_dim3A_5 {add = true} : memref<1984xf32, #tpu.memory_space<vmem>>[vector<16xi32>], vector<16xf32>,
      %scatter3A_384 = arith.constant 2048 : i32
      %scatter3A_385 = tpu.memref_slice %arg8[%scatter3A_384] : memref<8192xf32, #tpu.memory_space<vmem>> -> memref<1984xf32, #tpu.memory_space<vmem>>
      tpu.vector_store_idx %scatter3A_385[%add3A_272], %broadcast_in_dim3A_5 {add = true} : memref<1984xf32, #tpu.memory_space<vmem>>[vector<16xi32>], vector<16xf32>,
      %scatter3A_386 = arith.constant 4096 : i32
      %scatter3A_387 = tpu.memref_slice %arg8[%scatter3A_386] : memref<8192xf32, #tpu.memory_space<vmem>> -> memref<1984xf32, #tpu.memory_space<vmem>>
      tpu.vector_store_idx %scatter3A_387[%add3A_273], %broadcast_in_dim3A_5 {add = true} : memref<1984xf32, #tpu.memory_space<vmem>>[vector<16xi32>], vector<16xf32>,
      %scatter3A_388 = arith.constant 6144 : i32
      %scatter3A_389 = tpu.memref_slice %arg8[%scatter3A_388] : memref<8192xf32, #tpu.memory_space<vmem>> -> memref<1984xf32, #tpu.memory_space<vmem>>
      tpu.vector_store_idx %scatter3A_389[%add3A_274], %broadcast_in_dim3A_5 {add = true} : memref<1984xf32, #tpu.memory_space<vmem>>[vector<16xi32>], vector<16xf32>,
      %scatter3A_390 = arith.constant 64 : i32
      %scatter3A_391 = tpu.memref_slice %arg8[%scatter3A_390] : memref<8192xf32, #tpu.memory_space<vmem>> -> memref<1984xf32, #tpu.memory_space<vmem>>
      tpu.vector_store_idx %scatter3A_391[%add3A_275], %broadcast_in_dim3A_5 {add = true} : memref<1984xf32, #tpu.memory_space<vmem>>[vector<16xi32>], vector<16xf32>,
      %scatter3A_392 = arith.constant 2112 : i32
      %scatter3A_393 = tpu.memref_slice %arg8[%scatter3A_392] : memref<8192xf32, #tpu.memory_space<vmem>> -> memref<1984xf32, #tpu.memory_space<vmem>>
      tpu.vector_store_idx %scatter3A_393[%add3A_276], %broadcast_in_dim3A_5 {add = true} : memref<1984xf32, #tpu.memory_space<vmem>>[vector<16xi32>], vector<16xf32>,
      %scatter3A_394 = arith.constant 4160 : i32
      %scatter3A_395 = tpu.memref_slice %arg8[%scatter3A_394] : memref<8192xf32, #tpu.memory_space<vmem>> -> memref<1984xf32, #tpu.memory_space<vmem>>
      tpu.vector_store_idx %scatter3A_395[%add3A_277], %broadcast_in_dim3A_5 {add = true} : memref<1984xf32, #tpu.memory_space<vmem>>[vector<16xi32>], vector<16xf32>,
      %scatter3A_396 = arith.constant 6208 : i32
      %scatter3A_397 = tpu.memref_slice %arg8[%scatter3A_396] : memref<8192xf32, #tpu.memory_space<vmem>> -> memref<1984xf32, #tpu.memory_space<vmem>>
      tpu.vector_store_idx %scatter3A_397[%add3A_278], %broadcast_in_dim3A_5 {add = true} : memref<1984xf32, #tpu.memory_space<vmem>>[vector<16xi32>], vector<16xf32>,
      %scatter3A_398 = arith.constant 0 : i32
      %scatter3A_399 = tpu.memref_slice %arg8[%scatter3A_398] : memref<8192xf32, #tpu.memory_space<vmem>> -> memref<1984xf32, #tpu.memory_space<vmem>>
      tpu.vector_store_idx %scatter3A_399[%add3A_279], %broadcast_in_dim3A_5 {add = true} : memref<1984xf32, #tpu.memory_space<vmem>>[vector<16xi32>], vector<16xf32>,
      %scatter3A_400 = arith.constant 2048 : i32
      %scatter3A_401 = tpu.memref_slice %arg8[%scatter3A_400] : memref<8192xf32, #tpu.memory_space<vmem>> -> memref<1984xf32, #tpu.memory_space<vmem>>
      tpu.vector_store_idx %scatter3A_401[%add3A_280], %broadcast_in_dim3A_5 {add = true} : memref<1984xf32, #tpu.memory_space<vmem>>[vector<16xi32>], vector<16xf32>,
      %scatter3A_402 = arith.constant 4096 : i32
      %scatter3A_403 = tpu.memref_slice %arg8[%scatter3A_402] : memref<8192xf32, #tpu.memory_space<vmem>> -> memref<1984xf32, #tpu.memory_space<vmem>>
      tpu.vector_store_idx %scatter3A_403[%add3A_281], %broadcast_in_dim3A_5 {add = true} : memref<1984xf32, #tpu.memory_space<vmem>>[vector<16xi32>], vector<16xf32>,
      %scatter3A_404 = arith.constant 6144 : i32
      %scatter3A_405 = tpu.memref_slice %arg8[%scatter3A_404] : memref<8192xf32, #tpu.memory_space<vmem>> -> memref<1984xf32, #tpu.memory_space<vmem>>
      tpu.vector_store_idx %scatter3A_405[%add3A_282], %broadcast_in_dim3A_5 {add = true} : memref<1984xf32, #tpu.memory_space<vmem>>[vector<16xi32>], vector<16xf32>,
      %scatter3A_406 = arith.constant 64 : i32
      %scatter3A_407 = tpu.memref_slice %arg8[%scatter3A_406] : memref<8192xf32, #tpu.memory_space<vmem>> -> memref<1984xf32, #tpu.memory_space<vmem>>
      tpu.vector_store_idx %scatter3A_407[%add3A_283], %broadcast_in_dim3A_5 {add = true} : memref<1984xf32, #tpu.memory_space<vmem>>[vector<16xi32>], vector<16xf32>,
      %scatter3A_408 = arith.constant 2112 : i32
      %scatter3A_409 = tpu.memref_slice %arg8[%scatter3A_408] : memref<8192xf32, #tpu.memory_space<vmem>> -> memref<1984xf32, #tpu.memory_space<vmem>>
      tpu.vector_store_idx %scatter3A_409[%add3A_284], %broadcast_in_dim3A_5 {add = true} : memref<1984xf32, #tpu.memory_space<vmem>>[vector<16xi32>], vector<16xf32>,
      %scatter3A_410 = arith.constant 4160 : i32
      %scatter3A_411 = tpu.memref_slice %arg8[%scatter3A_410] : memref<8192xf32, #tpu.memory_space<vmem>> -> memref<1984xf32, #tpu.memory_space<vmem>>
      tpu.vector_store_idx %scatter3A_411[%add3A_285], %broadcast_in_dim3A_5 {add = true} : memref<1984xf32, #tpu.memory_space<vmem>>[vector<16xi32>], vector<16xf32>,
      %scatter3A_412 = arith.constant 6208 : i32
      %scatter3A_413 = tpu.memref_slice %arg8[%scatter3A_412] : memref<8192xf32, #tpu.memory_space<vmem>> -> memref<1984xf32, #tpu.memory_space<vmem>>
      tpu.vector_store_idx %scatter3A_413[%add3A_286], %broadcast_in_dim3A_5 {add = true} : memref<1984xf32, #tpu.memory_space<vmem>>[vector<16xi32>], vector<16xf32>,
      %scatter3A_414 = arith.constant 0 : i32
      %scatter3A_415 = tpu.memref_slice %arg8[%scatter3A_414] : memref<8192xf32, #tpu.memory_space<vmem>> -> memref<1984xf32, #tpu.memory_space<vmem>>
      tpu.vector_store_idx %scatter3A_415[%add3A_287], %broadcast_in_dim3A_5 {add = true} : memref<1984xf32, #tpu.memory_space<vmem>>[vector<16xi32>], vector<16xf32>,
      %scatter3A_416 = arith.constant 2048 : i32
      %scatter3A_417 = tpu.memref_slice %arg8[%scatter3A_416] : memref<8192xf32, #tpu.memory_space<vmem>> -> memref<1984xf32, #tpu.memory_space<vmem>>
      tpu.vector_store_idx %scatter3A_417[%add3A_288], %broadcast_in_dim3A_5 {add = true} : memref<1984xf32, #tpu.memory_space<vmem>>[vector<16xi32>], vector<16xf32>,
      %scatter3A_418 = arith.constant 4096 : i32
      %scatter3A_419 = tpu.memref_slice %arg8[%scatter3A_418] : memref<8192xf32, #tpu.memory_space<vmem>> -> memref<1984xf32, #tpu.memory_space<vmem>>
      tpu.vector_store_idx %scatter3A_419[%add3A_289], %broadcast_in_dim3A_5 {add = true} : memref<1984xf32, #tpu.memory_space<vmem>>[vector<16xi32>], vector<16xf32>,
      %scatter3A_420 = arith.constant 6144 : i32
      %scatter3A_421 = tpu.memref_slice %arg8[%scatter3A_420] : memref<8192xf32, #tpu.memory_space<vmem>> -> memref<1984xf32, #tpu.memory_space<vmem>>
      tpu.vector_store_idx %scatter3A_421[%add3A_290], %broadcast_in_dim3A_5 {add = true} : memref<1984xf32, #tpu.memory_space<vmem>>[vector<16xi32>], vector<16xf32>,
      %scatter3A_422 = arith.constant 64 : i32
      %scatter3A_423 = tpu.memref_slice %arg8[%scatter3A_422] : memref<8192xf32, #tpu.memory_space<vmem>> -> memref<1984xf32, #tpu.memory_space<vmem>>
      tpu.vector_store_idx %scatter3A_423[%add3A_291], %broadcast_in_dim3A_5 {add = true} : memref<1984xf32, #tpu.memory_space<vmem>>[vector<16xi32>], vector<16xf32>,
      %scatter3A_424 = arith.constant 2112 : i32
      %scatter3A_425 = tpu.memref_slice %arg8[%scatter3A_424] : memref<8192xf32, #tpu.memory_space<vmem>> -> memref<1984xf32, #tpu.memory_space<vmem>>
      tpu.vector_store_idx %scatter3A_425[%add3A_292], %broadcast_in_dim3A_5 {add = true} : memref<1984xf32, #tpu.memory_space<vmem>>[vector<16xi32>], vector<16xf32>,
      %scatter3A_426 = arith.constant 4160 : i32
      %scatter3A_427 = tpu.memref_slice %arg8[%scatter3A_426] : memref<8192xf32, #tpu.memory_space<vmem>> -> memref<1984xf32, #tpu.memory_space<vmem>>
      tpu.vector_store_idx %scatter3A_427[%add3A_293], %broadcast_in_dim3A_5 {add = true} : memref<1984xf32, #tpu.memory_space<vmem>>[vector<16xi32>], vector<16xf32>,
      %scatter3A_428 = arith.constant 6208 : i32
      %scatter3A_429 = tpu.memref_slice %arg8[%scatter3A_428] : memref<8192xf32, #tpu.memory_space<vmem>> -> memref<1984xf32, #tpu.memory_space<vmem>>
      tpu.vector_store_idx %scatter3A_429[%add3A_294], %broadcast_in_dim3A_5 {add = true} : memref<1984xf32, #tpu.memory_space<vmem>>[vector<16xi32>], vector<16xf32>,
      %scatter3A_430 = arith.constant 0 : i32
      %scatter3A_431 = tpu.memref_slice %arg8[%scatter3A_430] : memref<8192xf32, #tpu.memory_space<vmem>> -> memref<1984xf32, #tpu.memory_space<vmem>>
      tpu.vector_store_idx %scatter3A_431[%add3A_295], %broadcast_in_dim3A_5 {add = true} : memref<1984xf32, #tpu.memory_space<vmem>>[vector<16xi32>], vector<16xf32>,
      %scatter3A_432 = arith.constant 2048 : i32
      %scatter3A_433 = tpu.memref_slice %arg8[%scatter3A_432] : memref<8192xf32, #tpu.memory_space<vmem>> -> memref<1984xf32, #tpu.memory_space<vmem>>
      tpu.vector_store_idx %scatter3A_433[%add3A_296], %broadcast_in_dim3A_5 {add = true} : memref<1984xf32, #tpu.memory_space<vmem>>[vector<16xi32>], vector<16xf32>,
      %scatter3A_434 = arith.constant 4096 : i32
      %scatter3A_435 = tpu.memref_slice %arg8[%scatter3A_434] : memref<8192xf32, #tpu.memory_space<vmem>> -> memref<1984xf32, #tpu.memory_space<vmem>>
      tpu.vector_store_idx %scatter3A_435[%add3A_297], %broadcast_in_dim3A_5 {add = true} : memref<1984xf32, #tpu.memory_space<vmem>>[vector<16xi32>], vector<16xf32>,
      %scatter3A_436 = arith.constant 6144 : i32
      %scatter3A_437 = tpu.memref_slice %arg8[%scatter3A_436] : memref<8192xf32, #tpu.memory_space<vmem>> -> memref<1984xf32, #tpu.memory_space<vmem>>
      tpu.vector_store_idx %scatter3A_437[%add3A_298], %broadcast_in_dim3A_5 {add = true} : memref<1984xf32, #tpu.memory_space<vmem>>[vector<16xi32>], vector<16xf32>,
      %scatter3A_438 = arith.constant 64 : i32
      %scatter3A_439 = tpu.memref_slice %arg8[%scatter3A_438] : memref<8192xf32, #tpu.memory_space<vmem>> -> memref<1984xf32, #tpu.memory_space<vmem>>
      tpu.vector_store_idx %scatter3A_439[%add3A_299], %broadcast_in_dim3A_5 {add = true} : memref<1984xf32, #tpu.memory_space<vmem>>[vector<16xi32>], vector<16xf32>,
      %scatter3A_440 = arith.constant 2112 : i32
      %scatter3A_441 = tpu.memref_slice %arg8[%scatter3A_440] : memref<8192xf32, #tpu.memory_space<vmem>> -> memref<1984xf32, #tpu.memory_space<vmem>>
      tpu.vector_store_idx %scatter3A_441[%add3A_300], %broadcast_in_dim3A_5 {add = true} : memref<1984xf32, #tpu.memory_space<vmem>>[vector<16xi32>], vector<16xf32>,
      %scatter3A_442 = arith.constant 4160 : i32
      %scatter3A_443 = tpu.memref_slice %arg8[%scatter3A_442] : memref<8192xf32, #tpu.memory_space<vmem>> -> memref<1984xf32, #tpu.memory_space<vmem>>
      tpu.vector_store_idx %scatter3A_443[%add3A_301], %broadcast_in_dim3A_5 {add = true} : memref<1984xf32, #tpu.memory_space<vmem>>[vector<16xi32>], vector<16xf32>,
      %scatter3A_444 = arith.constant 6208 : i32
      %scatter3A_445 = tpu.memref_slice %arg8[%scatter3A_444] : memref<8192xf32, #tpu.memory_space<vmem>> -> memref<1984xf32, #tpu.memory_space<vmem>>
      tpu.vector_store_idx %scatter3A_445[%add3A_302], %broadcast_in_dim3A_5 {add = true} : memref<1984xf32, #tpu.memory_space<vmem>>[vector<16xi32>], vector<16xf32>,
    }
    %scan3A_108 = arith.constant 50 : i32
    %swap3A_109 = arith.constant 8000 : index
    %swap3A_110 = tpu.vector_load %arg9[%swap3A_109] {strides = array<i32>} : memref<8192xf32, #tpu.memory_space<vmem>>, vector<16xf32>,
    tpu.vector_store %arg9[%swap3A_109], %broadcast_in_dim3A_3 {strides = array<i32>} : memref<8192xf32, #tpu.memory_space<vmem>>, vector<16xf32>,
    %swap3A_111 = arith.constant 8016 : index
    %swap3A_112 = tpu.vector_load %arg9[%swap3A_111] {strides = array<i32>} : memref<8192xf32, #tpu.memory_space<vmem>>, vector<16xf32>,
    tpu.vector_store %arg9[%swap3A_111], %broadcast_in_dim3A_3 {strides = array<i32>} : memref<8192xf32, #tpu.memory_space<vmem>>, vector<16xf32>,
    %swap3A_113 = arith.constant 8032 : index
    %swap3A_114 = tpu.vector_load %arg9[%swap3A_113] {strides = array<i32>} : memref<8192xf32, #tpu.memory_space<vmem>>, vector<16xf32>,
    tpu.vector_store %arg9[%swap3A_113], %broadcast_in_dim3A_3 {strides = array<i32>} : memref<8192xf32, #tpu.memory_space<vmem>>, vector<16xf32>,
    %swap3A_115 = arith.constant 8048 : index
    %swap3A_116 = tpu.vector_load %arg9[%swap3A_115] {strides = array<i32>} : memref<8192xf32, #tpu.memory_space<vmem>>, vector<16xf32>,
    tpu.vector_store %arg9[%swap3A_115], %broadcast_in_dim3A_3 {strides = array<i32>} : memref<8192xf32, #tpu.memory_space<vmem>>, vector<16xf32>,
    %swap3A_117 = arith.constant 8064 : index
    %swap3A_118 = tpu.vector_load %arg9[%swap3A_117] {strides = array<i32>} : memref<8192xf32, #tpu.memory_space<vmem>>, vector<16xf32>,
    tpu.vector_store %arg9[%swap3A_117], %broadcast_in_dim3A_3 {strides = array<i32>} : memref<8192xf32, #tpu.memory_space<vmem>>, vector<16xf32>,
    %swap3A_119 = arith.constant 8080 : index
    %swap3A_120 = tpu.vector_load %arg9[%swap3A_119] {strides = array<i32>} : memref<8192xf32, #tpu.memory_space<vmem>>, vector<16xf32>,
    tpu.vector_store %arg9[%swap3A_119], %broadcast_in_dim3A_3 {strides = array<i32>} : memref<8192xf32, #tpu.memory_space<vmem>>, vector<16xf32>,
    %swap3A_121 = arith.constant 8096 : index
    %swap3A_122 = tpu.vector_load %arg9[%swap3A_121] {strides = array<i32>} : memref<8192xf32, #tpu.memory_space<vmem>>, vector<16xf32>,
    tpu.vector_store %arg9[%swap3A_121], %broadcast_in_dim3A_3 {strides = array<i32>} : memref<8192xf32, #tpu.memory_space<vmem>>, vector<16xf32>,
    %swap3A_123 = arith.constant 8112 : index
    %swap3A_124 = tpu.vector_load %arg9[%swap3A_123] {strides = array<i32>} : memref<8192xf32, #tpu.memory_space<vmem>>, vector<16xf32>,
    tpu.vector_store %arg9[%swap3A_123], %broadcast_in_dim3A_3 {strides = array<i32>} : memref<8192xf32, #tpu.memory_space<vmem>>, vector<16xf32>,
    %swap3A_125 = arith.constant 8128 : index
    %swap3A_126 = tpu.vector_load %arg9[%swap3A_125] {strides = array<i32>} : memref<8192xf32, #tpu.memory_space<vmem>>, vector<16xf32>,
    tpu.vector_store %arg9[%swap3A_125], %broadcast_in_dim3A_3 {strides = array<i32>} : memref<8192xf32, #tpu.memory_space<vmem>>, vector<16xf32>,
    %swap3A_127 = arith.constant 8144 : index
    %swap3A_128 = tpu.vector_load %arg9[%swap3A_127] {strides = array<i32>} : memref<8192xf32, #tpu.memory_space<vmem>>, vector<16xf32>,
    tpu.vector_store %arg9[%swap3A_127], %broadcast_in_dim3A_3 {strides = array<i32>} : memref<8192xf32, #tpu.memory_space<vmem>>, vector<16xf32>,
    %swap3A_129 = arith.constant 8160 : index
    %swap3A_130 = tpu.vector_load %arg9[%swap3A_129] {strides = array<i32>} : memref<8192xf32, #tpu.memory_space<vmem>>, vector<16xf32>,
    tpu.vector_store %arg9[%swap3A_129], %broadcast_in_dim3A_3 {strides = array<i32>} : memref<8192xf32, #tpu.memory_space<vmem>>, vector<16xf32>,
    %swap3A_131 = arith.constant 8176 : index
    %swap3A_132 = tpu.vector_load %arg9[%swap3A_131] {strides = array<i32>} : memref<8192xf32, #tpu.memory_space<vmem>>, vector<16xf32>,
    tpu.vector_store %arg9[%swap3A_131], %broadcast_in_dim3A_3 {strides = array<i32>} : memref<8192xf32, #tpu.memory_space<vmem>>, vector<16xf32>,
    %add3A_133 = arith.constant 128 : i32
    %add3A_134 = arith.addi %mul3A_2, %add3A_133 : i32
    %mul3A_135 = arith.constant 2 : i32
    %mul3A_136 = arith.muli %add3A_134, %mul3A_135 : i32
    %mul3A_137 = arith.constant 64 : i32
    %mul3A_138 = arith.muli %mul3A_136, %mul3A_137 : i32
    %dma_start3A_139 = tpu.memref_slice %arg3[%mul3A_138] : memref<1048576xf32, #tpu.memory_space<hbm>> -> memref<8192xf32, #tpu.memory_space<hbm>>
    %dma_start3A_140 = tpu.memref_slice %arg3[%mul3A_138] : memref<1048576xf32, #tpu.memory_space<hbm>> -> memref<8192xf32, #tpu.memory_space<hbm>>
    tpu.enqueue_dma source(%arg8 : memref<8192xf32, #tpu.memory_space<vmem>>) target(%dma_start3A_140 : memref<8192xf32, #tpu.memory_space<hbm>>) target_semaphore(%arg12 : memref<!tpu.dma_semaphore, #tpu.memory_space<semaphore_mem>>)
    %scan3A_141 = arith.constant 0 : i32
    %scan3A_142 = arith.constant 0 : i32
    %scan3A_143 = arith.constant 50 : i32
    %scan3A_144 = arith.addi %scan3A_142, %scan3A_143 : i32
    %scan3A_145 = arith.constant 1 : i32
    scf.for %scan3A_159 = %scan3A_142 to %scan3A_144 step %scan3A_145  : i32 {
      %mul3A_160 = arith.constant 4 : i32
      %mul3A_161 = arith.muli %scan3A_159, %mul3A_160 : i32
      %add3A_162 = arith.constant 0 : i32
      %add3A_163 = arith.addi %mul3A_161, %add3A_162 : i32
      %get3A = arith.index_cast %add3A_163 : i32 to index
      %get3A_164 = arith.constant 64 : index
      %get3A_165 = tpu.vector_load %arg5[%get3A, %get3A_164] {strides = array<i32>} : memref<200x128xi32, #tpu.memory_space<vmem>>, vector<16xi32>,
      %get3A_166 = arith.index_cast %add3A_163 : i32 to index
      %get3A_167 = arith.constant 80 : index
      %get3A_168 = tpu.vector_load %arg5[%get3A_166, %get3A_167] {strides = array<i32>} : memref<200x128xi32, #tpu.memory_space<vmem>>, vector<16xi32>,
      %get3A_169 = arith.index_cast %add3A_163 : i32 to index
      %get3A_170 = arith.constant 96 : index
      %get3A_171 = tpu.vector_load %arg5[%get3A_169, %get3A_170] {strides = array<i32>} : memref<200x128xi32, #tpu.memory_space<vmem>>, vector<16xi32>,
      %get3A_172 = arith.index_cast %add3A_163 : i32 to index
      %get3A_173 = arith.constant 112 : index
      %get3A_174 = tpu.vector_load %arg5[%get3A_172, %get3A_173] {strides = array<i32>} : memref<200x128xi32, #tpu.memory_space<vmem>>, vector<16xi32>,
      %get3A_175 = arith.index_cast %add3A_163 : i32 to index
      %get3A_176 = arith.constant 64 : index
      %get3A_177 = tpu.vector_load %arg7[%get3A_175, %get3A_176] {strides = array<i32>} : memref<200x128xi32, #tpu.memory_space<vmem>>, vector<16xi32>,
      %get3A_178 = arith.index_cast %add3A_163 : i32 to index
      %get3A_179 = arith.constant 80 : index
      %get3A_180 = tpu.vector_load %arg7[%get3A_178, %get3A_179] {strides = array<i32>} : memref<200x128xi32, #tpu.memory_space<vmem>>, vector<16xi32>,
      %get3A_181 = arith.index_cast %add3A_163 : i32 to index
      %get3A_182 = arith.constant 96 : index
      %get3A_183 = tpu.vector_load %arg7[%get3A_181, %get3A_182] {strides = array<i32>} : memref<200x128xi32, #tpu.memory_space<vmem>>, vector<16xi32>,
      %get3A_184 = arith.index_cast %add3A_163 : i32 to index
      %get3A_185 = arith.constant 112 : index
      %get3A_186 = tpu.vector_load %arg7[%get3A_184, %get3A_185] {strides = array<i32>} : memref<200x128xi32, #tpu.memory_space<vmem>>, vector<16xi32>,
      %mul3A_187 = arith.constant 4 : i32
      %mul3A_188 = arith.muli %scan3A_159, %mul3A_187 : i32
      %add3A_189 = arith.constant 1 : i32
      %add3A_190 = arith.addi %mul3A_188, %add3A_189 : i32
      %get3A_191 = arith.index_cast %add3A_190 : i32 to index
      %get3A_192 = arith.constant 64 : index
      %get3A_193 = tpu.vector_load %arg5[%get3A_191, %get3A_192] {strides = array<i32>} : memref<200x128xi32, #tpu.memory_space<vmem>>, vector<16xi32>,
      %get3A_194 = arith.index_cast %add3A_190 : i32 to index
      %get3A_195 = arith.constant 80 : index
      %get3A_196 = tpu.vector_load %arg5[%get3A_194, %get3A_195] {strides = array<i32>} : memref<200x128xi32, #tpu.memory_space<vmem>>, vector<16xi32>,
      %get3A_197 = arith.index_cast %add3A_190 : i32 to index
      %get3A_198 = arith.constant 96 : index
      %get3A_199 = tpu.vector_load %arg5[%get3A_197, %get3A_198] {strides = array<i32>} : memref<200x128xi32, #tpu.memory_space<vmem>>, vector<16xi32>,
      %get3A_200 = arith.index_cast %add3A_190 : i32 to index
      %get3A_201 = arith.constant 112 : index
      %get3A_202 = tpu.vector_load %arg5[%get3A_200, %get3A_201] {strides = array<i32>} : memref<200x128xi32, #tpu.memory_space<vmem>>, vector<16xi32>,
      %get3A_203 = arith.index_cast %add3A_190 : i32 to index
      %get3A_204 = arith.constant 64 : index
      %get3A_205 = tpu.vector_load %arg7[%get3A_203, %get3A_204] {strides = array<i32>} : memref<200x128xi32, #tpu.memory_space<vmem>>, vector<16xi32>,
      %get3A_206 = arith.index_cast %add3A_190 : i32 to index
      %get3A_207 = arith.constant 80 : index
      %get3A_208 = tpu.vector_load %arg7[%get3A_206, %get3A_207] {strides = array<i32>} : memref<200x128xi32, #tpu.memory_space<vmem>>, vector<16xi32>,
      %get3A_209 = arith.index_cast %add3A_190 : i32 to index
      %get3A_210 = arith.constant 96 : index
      %get3A_211 = tpu.vector_load %arg7[%get3A_209, %get3A_210] {strides = array<i32>} : memref<200x128xi32, #tpu.memory_space<vmem>>, vector<16xi32>,
      %get3A_212 = arith.index_cast %add3A_190 : i32 to index
      %get3A_213 = arith.constant 112 : index
      %get3A_214 = tpu.vector_load %arg7[%get3A_212, %get3A_213] {strides = array<i32>} : memref<200x128xi32, #tpu.memory_space<vmem>>, vector<16xi32>,
      %mul3A_215 = arith.constant 4 : i32
      %mul3A_216 = arith.muli %scan3A_159, %mul3A_215 : i32
      %add3A_217 = arith.constant 2 : i32
      %add3A_218 = arith.addi %mul3A_216, %add3A_217 : i32
      %get3A_219 = arith.index_cast %add3A_218 : i32 to index
      %get3A_220 = arith.constant 64 : index
      %get3A_221 = tpu.vector_load %arg5[%get3A_219, %get3A_220] {strides = array<i32>} : memref<200x128xi32, #tpu.memory_space<vmem>>, vector<16xi32>,
      %get3A_222 = arith.index_cast %add3A_218 : i32 to index
      %get3A_223 = arith.constant 80 : index
      %get3A_224 = tpu.vector_load %arg5[%get3A_222, %get3A_223] {strides = array<i32>} : memref<200x128xi32, #tpu.memory_space<vmem>>, vector<16xi32>,
      %get3A_225 = arith.index_cast %add3A_218 : i32 to index
      %get3A_226 = arith.constant 96 : index
      %get3A_227 = tpu.vector_load %arg5[%get3A_225, %get3A_226] {strides = array<i32>} : memref<200x128xi32, #tpu.memory_space<vmem>>, vector<16xi32>,
      %get3A_228 = arith.index_cast %add3A_218 : i32 to index
      %get3A_229 = arith.constant 112 : index
      %get3A_230 = tpu.vector_load %arg5[%get3A_228, %get3A_229] {strides = array<i32>} : memref<200x128xi32, #tpu.memory_space<vmem>>, vector<16xi32>,
      %get3A_231 = arith.index_cast %add3A_218 : i32 to index
      %get3A_232 = arith.constant 64 : index
      %get3A_233 = tpu.vector_load %arg7[%get3A_231, %get3A_232] {strides = array<i32>} : memref<200x128xi32, #tpu.memory_space<vmem>>, vector<16xi32>,
      %get3A_234 = arith.index_cast %add3A_218 : i32 to index
      %get3A_235 = arith.constant 80 : index
      %get3A_236 = tpu.vector_load %arg7[%get3A_234, %get3A_235] {strides = array<i32>} : memref<200x128xi32, #tpu.memory_space<vmem>>, vector<16xi32>,
      %get3A_237 = arith.index_cast %add3A_218 : i32 to index
      %get3A_238 = arith.constant 96 : index
      %get3A_239 = tpu.vector_load %arg7[%get3A_237, %get3A_238] {strides = array<i32>} : memref<200x128xi32, #tpu.memory_space<vmem>>, vector<16xi32>,
      %get3A_240 = arith.index_cast %add3A_218 : i32 to index
      %get3A_241 = arith.constant 112 : index
      %get3A_242 = tpu.vector_load %arg7[%get3A_240, %get3A_241] {strides = array<i32>} : memref<200x128xi32, #tpu.memory_space<vmem>>, vector<16xi32>,
      %mul3A_243 = arith.constant 4 : i32
      %mul3A_244 = arith.muli %scan3A_159, %mul3A_243 : i32
      %add3A_245 = arith.constant 3 : i32
      %add3A_246 = arith.addi %mul3A_244, %add3A_245 : i32
      %get3A_247 = arith.index_cast %add3A_246 : i32 to index
      %get3A_248 = arith.constant 64 : index
      %get3A_249 = tpu.vector_load %arg5[%get3A_247, %get3A_248] {strides = array<i32>} : memref<200x128xi32, #tpu.memory_space<vmem>>, vector<16xi32>,
      %get3A_250 = arith.index_cast %add3A_246 : i32 to index
      %get3A_251 = arith.constant 80 : index
      %get3A_252 = tpu.vector_load %arg5[%get3A_250, %get3A_251] {strides = array<i32>} : memref<200x128xi32, #tpu.memory_space<vmem>>, vector<16xi32>,
      %get3A_253 = arith.index_cast %add3A_246 : i32 to index
      %get3A_254 = arith.constant 96 : index
      %get3A_255 = tpu.vector_load %arg5[%get3A_253, %get3A_254] {strides = array<i32>} : memref<200x128xi32, #tpu.memory_space<vmem>>, vector<16xi32>,
      %get3A_256 = arith.index_cast %add3A_246 : i32 to index
      %get3A_257 = arith.constant 112 : index
      %get3A_258 = tpu.vector_load %arg5[%get3A_256, %get3A_257] {strides = array<i32>} : memref<200x128xi32, #tpu.memory_space<vmem>>, vector<16xi32>,
      %get3A_259 = arith.index_cast %add3A_246 : i32 to index
      %get3A_260 = arith.constant 64 : index
      %get3A_261 = tpu.vector_load %arg7[%get3A_259, %get3A_260] {strides = array<i32>} : memref<200x128xi32, #tpu.memory_space<vmem>>, vector<16xi32>,
      %get3A_262 = arith.index_cast %add3A_246 : i32 to index
      %get3A_263 = arith.constant 80 : index
      %get3A_264 = tpu.vector_load %arg7[%get3A_262, %get3A_263] {strides = array<i32>} : memref<200x128xi32, #tpu.memory_space<vmem>>, vector<16xi32>,
      %get3A_265 = arith.index_cast %add3A_246 : i32 to index
      %get3A_266 = arith.constant 96 : index
      %get3A_267 = tpu.vector_load %arg7[%get3A_265, %get3A_266] {strides = array<i32>} : memref<200x128xi32, #tpu.memory_space<vmem>>, vector<16xi32>,
      %get3A_268 = arith.index_cast %add3A_246 : i32 to index
      %get3A_269 = arith.constant 112 : index
      %get3A_270 = tpu.vector_load %arg7[%get3A_268, %get3A_269] {strides = array<i32>} : memref<200x128xi32, #tpu.memory_space<vmem>>, vector<16xi32>,
      %add3A_271 = arith.addi %mul3A_8, %get3A_165 : vector<16xi32>
      %add3A_272 = arith.addi %mul3A_8, %get3A_168 : vector<16xi32>
      %add3A_273 = arith.addi %mul3A_8, %get3A_171 : vector<16xi32>
      %add3A_274 = arith.addi %mul3A_8, %get3A_174 : vector<16xi32>
      %add3A_275 = arith.addi %mul3A_8, %get3A_177 : vector<16xi32>
      %add3A_276 = arith.addi %mul3A_8, %get3A_180 : vector<16xi32>
      %add3A_277 = arith.addi %mul3A_8, %get3A_183 : vector<16xi32>
      %add3A_278 = arith.addi %mul3A_8, %get3A_186 : vector<16xi32>
      %add3A_279 = arith.addi %mul3A_8, %get3A_193 : vector<16xi32>
      %add3A_280 = arith.addi %mul3A_8, %get3A_196 : vector<16xi32>
      %add3A_281 = arith.addi %mul3A_8, %get3A_199 : vector<16xi32>
      %add3A_282 = arith.addi %mul3A_8, %get3A_202 : vector<16xi32>
      %add3A_283 = arith.addi %mul3A_8, %get3A_205 : vector<16xi32>
      %add3A_284 = arith.addi %mul3A_8, %get3A_208 : vector<16xi32>
      %add3A_285 = arith.addi %mul3A_8, %get3A_211 : vector<16xi32>
      %add3A_286 = arith.addi %mul3A_8, %get3A_214 : vector<16xi32>
      %add3A_287 = arith.addi %mul3A_8, %get3A_221 : vector<16xi32>
      %add3A_288 = arith.addi %mul3A_8, %get3A_224 : vector<16xi32>
      %add3A_289 = arith.addi %mul3A_8, %get3A_227 : vector<16xi32>
      %add3A_290 = arith.addi %mul3A_8, %get3A_230 : vector<16xi32>
      %add3A_291 = arith.addi %mul3A_8, %get3A_233 : vector<16xi32>
      %add3A_292 = arith.addi %mul3A_8, %get3A_236 : vector<16xi32>
      %add3A_293 = arith.addi %mul3A_8, %get3A_239 : vector<16xi32>
      %add3A_294 = arith.addi %mul3A_8, %get3A_242 : vector<16xi32>
      %add3A_295 = arith.addi %mul3A_8, %get3A_249 : vector<16xi32>
      %add3A_296 = arith.addi %mul3A_8, %get3A_252 : vector<16xi32>
      %add3A_297 = arith.addi %mul3A_8, %get3A_255 : vector<16xi32>
      %add3A_298 = arith.addi %mul3A_8, %get3A_258 : vector<16xi32>
      %add3A_299 = arith.addi %mul3A_8, %get3A_261 : vector<16xi32>
      %add3A_300 = arith.addi %mul3A_8, %get3A_264 : vector<16xi32>
      %add3A_301 = arith.addi %mul3A_8, %get3A_267 : vector<16xi32>
      %add3A_302 = arith.addi %mul3A_8, %get3A_270 : vector<16xi32>
      %scatter3A = arith.constant 0 : i32
      %scatter3A_303 = tpu.memref_slice %arg9[%scatter3A] : memref<8192xf32, #tpu.memory_space<vmem>> -> memref<1984xf32, #tpu.memory_space<vmem>>
      tpu.vector_store_idx %scatter3A_303[%add3A_271], %broadcast_in_dim3A_5 {add = true} : memref<1984xf32, #tpu.memory_space<vmem>>[vector<16xi32>], vector<16xf32>,
      %scatter3A_304 = arith.constant 2048 : i32
      %scatter3A_305 = tpu.memref_slice %arg9[%scatter3A_304] : memref<8192xf32, #tpu.memory_space<vmem>> -> memref<1984xf32, #tpu.memory_space<vmem>>
      tpu.vector_store_idx %scatter3A_305[%add3A_272], %broadcast_in_dim3A_5 {add = true} : memref<1984xf32, #tpu.memory_space<vmem>>[vector<16xi32>], vector<16xf32>,
      %scatter3A_306 = arith.constant 4096 : i32
      %scatter3A_307 = tpu.memref_slice %arg9[%scatter3A_306] : memref<8192xf32, #tpu.memory_space<vmem>> -> memref<1984xf32, #tpu.memory_space<vmem>>
      tpu.vector_store_idx %scatter3A_307[%add3A_273], %broadcast_in_dim3A_5 {add = true} : memref<1984xf32, #tpu.memory_space<vmem>>[vector<16xi32>], vector<16xf32>,
      %scatter3A_308 = arith.constant 6144 : i32
      %scatter3A_309 = tpu.memref_slice %arg9[%scatter3A_308] : memref<8192xf32, #tpu.memory_space<vmem>> -> memref<1984xf32, #tpu.memory_space<vmem>>
      tpu.vector_store_idx %scatter3A_309[%add3A_274], %broadcast_in_dim3A_5 {add = true} : memref<1984xf32, #tpu.memory_space<vmem>>[vector<16xi32>], vector<16xf32>,
      %scatter3A_310 = arith.constant 64 : i32
      %scatter3A_311 = tpu.memref_slice %arg9[%scatter3A_310] : memref<8192xf32, #tpu.memory_space<vmem>> -> memref<1984xf32, #tpu.memory_space<vmem>>
      tpu.vector_store_idx %scatter3A_311[%add3A_275], %broadcast_in_dim3A_5 {add = true} : memref<1984xf32, #tpu.memory_space<vmem>>[vector<16xi32>], vector<16xf32>,
      %scatter3A_312 = arith.constant 2112 : i32
      %scatter3A_313 = tpu.memref_slice %arg9[%scatter3A_312] : memref<8192xf32, #tpu.memory_space<vmem>> -> memref<1984xf32, #tpu.memory_space<vmem>>
      tpu.vector_store_idx %scatter3A_313[%add3A_276], %broadcast_in_dim3A_5 {add = true} : memref<1984xf32, #tpu.memory_space<vmem>>[vector<16xi32>], vector<16xf32>,
      %scatter3A_314 = arith.constant 4160 : i32
      %scatter3A_315 = tpu.memref_slice %arg9[%scatter3A_314] : memref<8192xf32, #tpu.memory_space<vmem>> -> memref<1984xf32, #tpu.memory_space<vmem>>
      tpu.vector_store_idx %scatter3A_315[%add3A_277], %broadcast_in_dim3A_5 {add = true} : memref<1984xf32, #tpu.memory_space<vmem>>[vector<16xi32>], vector<16xf32>,
      %scatter3A_316 = arith.constant 6208 : i32
      %scatter3A_317 = tpu.memref_slice %arg9[%scatter3A_316] : memref<8192xf32, #tpu.memory_space<vmem>> -> memref<1984xf32, #tpu.memory_space<vmem>>
      tpu.vector_store_idx %scatter3A_317[%add3A_278], %broadcast_in_dim3A_5 {add = true} : memref<1984xf32, #tpu.memory_space<vmem>>[vector<16xi32>], vector<16xf32>,
      %scatter3A_318 = arith.constant 0 : i32
      %scatter3A_319 = tpu.memref_slice %arg9[%scatter3A_318] : memref<8192xf32, #tpu.memory_space<vmem>> -> memref<1984xf32, #tpu.memory_space<vmem>>
      tpu.vector_store_idx %scatter3A_319[%add3A_279], %broadcast_in_dim3A_5 {add = true} : memref<1984xf32, #tpu.memory_space<vmem>>[vector<16xi32>], vector<16xf32>,
      %scatter3A_320 = arith.constant 2048 : i32
      %scatter3A_321 = tpu.memref_slice %arg9[%scatter3A_320] : memref<8192xf32, #tpu.memory_space<vmem>> -> memref<1984xf32, #tpu.memory_space<vmem>>
      tpu.vector_store_idx %scatter3A_321[%add3A_280], %broadcast_in_dim3A_5 {add = true} : memref<1984xf32, #tpu.memory_space<vmem>>[vector<16xi32>], vector<16xf32>,
      %scatter3A_322 = arith.constant 4096 : i32
      %scatter3A_323 = tpu.memref_slice %arg9[%scatter3A_322] : memref<8192xf32, #tpu.memory_space<vmem>> -> memref<1984xf32, #tpu.memory_space<vmem>>
      tpu.vector_store_idx %scatter3A_323[%add3A_281], %broadcast_in_dim3A_5 {add = true} : memref<1984xf32, #tpu.memory_space<vmem>>[vector<16xi32>], vector<16xf32>,
      %scatter3A_324 = arith.constant 6144 : i32
      %scatter3A_325 = tpu.memref_slice %arg9[%scatter3A_324] : memref<8192xf32, #tpu.memory_space<vmem>> -> memref<1984xf32, #tpu.memory_space<vmem>>
      tpu.vector_store_idx %scatter3A_325[%add3A_282], %broadcast_in_dim3A_5 {add = true} : memref<1984xf32, #tpu.memory_space<vmem>>[vector<16xi32>], vector<16xf32>,
      %scatter3A_326 = arith.constant 64 : i32
      %scatter3A_327 = tpu.memref_slice %arg9[%scatter3A_326] : memref<8192xf32, #tpu.memory_space<vmem>> -> memref<1984xf32, #tpu.memory_space<vmem>>
      tpu.vector_store_idx %scatter3A_327[%add3A_283], %broadcast_in_dim3A_5 {add = true} : memref<1984xf32, #tpu.memory_space<vmem>>[vector<16xi32>], vector<16xf32>,
      %scatter3A_328 = arith.constant 2112 : i32
      %scatter3A_329 = tpu.memref_slice %arg9[%scatter3A_328] : memref<8192xf32, #tpu.memory_space<vmem>> -> memref<1984xf32, #tpu.memory_space<vmem>>
      tpu.vector_store_idx %scatter3A_329[%add3A_284], %broadcast_in_dim3A_5 {add = true} : memref<1984xf32, #tpu.memory_space<vmem>>[vector<16xi32>], vector<16xf32>,
      %scatter3A_330 = arith.constant 4160 : i32
      %scatter3A_331 = tpu.memref_slice %arg9[%scatter3A_330] : memref<8192xf32, #tpu.memory_space<vmem>> -> memref<1984xf32, #tpu.memory_space<vmem>>
      tpu.vector_store_idx %scatter3A_331[%add3A_285], %broadcast_in_dim3A_5 {add = true} : memref<1984xf32, #tpu.memory_space<vmem>>[vector<16xi32>], vector<16xf32>,
      %scatter3A_332 = arith.constant 6208 : i32
      %scatter3A_333 = tpu.memref_slice %arg9[%scatter3A_332] : memref<8192xf32, #tpu.memory_space<vmem>> -> memref<1984xf32, #tpu.memory_space<vmem>>
      tpu.vector_store_idx %scatter3A_333[%add3A_286], %broadcast_in_dim3A_5 {add = true} : memref<1984xf32, #tpu.memory_space<vmem>>[vector<16xi32>], vector<16xf32>,
      %scatter3A_334 = arith.constant 0 : i32
      %scatter3A_335 = tpu.memref_slice %arg9[%scatter3A_334] : memref<8192xf32, #tpu.memory_space<vmem>> -> memref<1984xf32, #tpu.memory_space<vmem>>
      tpu.vector_store_idx %scatter3A_335[%add3A_287], %broadcast_in_dim3A_5 {add = true} : memref<1984xf32, #tpu.memory_space<vmem>>[vector<16xi32>], vector<16xf32>,
      %scatter3A_336 = arith.constant 2048 : i32
      %scatter3A_337 = tpu.memref_slice %arg9[%scatter3A_336] : memref<8192xf32, #tpu.memory_space<vmem>> -> memref<1984xf32, #tpu.memory_space<vmem>>
      tpu.vector_store_idx %scatter3A_337[%add3A_288], %broadcast_in_dim3A_5 {add = true} : memref<1984xf32, #tpu.memory_space<vmem>>[vector<16xi32>], vector<16xf32>,
      %scatter3A_338 = arith.constant 4096 : i32
      %scatter3A_339 = tpu.memref_slice %arg9[%scatter3A_338] : memref<8192xf32, #tpu.memory_space<vmem>> -> memref<1984xf32, #tpu.memory_space<vmem>>
      tpu.vector_store_idx %scatter3A_339[%add3A_289], %broadcast_in_dim3A_5 {add = true} : memref<1984xf32, #tpu.memory_space<vmem>>[vector<16xi32>], vector<16xf32>,
      %scatter3A_340 = arith.constant 6144 : i32
      %scatter3A_341 = tpu.memref_slice %arg9[%scatter3A_340] : memref<8192xf32, #tpu.memory_space<vmem>> -> memref<1984xf32, #tpu.memory_space<vmem>>
      tpu.vector_store_idx %scatter3A_341[%add3A_290], %broadcast_in_dim3A_5 {add = true} : memref<1984xf32, #tpu.memory_space<vmem>>[vector<16xi32>], vector<16xf32>,
      %scatter3A_342 = arith.constant 64 : i32
      %scatter3A_343 = tpu.memref_slice %arg9[%scatter3A_342] : memref<8192xf32, #tpu.memory_space<vmem>> -> memref<1984xf32, #tpu.memory_space<vmem>>
      tpu.vector_store_idx %scatter3A_343[%add3A_291], %broadcast_in_dim3A_5 {add = true} : memref<1984xf32, #tpu.memory_space<vmem>>[vector<16xi32>], vector<16xf32>,
      %scatter3A_344 = arith.constant 2112 : i32
      %scatter3A_345 = tpu.memref_slice %arg9[%scatter3A_344] : memref<8192xf32, #tpu.memory_space<vmem>> -> memref<1984xf32, #tpu.memory_space<vmem>>
      tpu.vector_store_idx %scatter3A_345[%add3A_292], %broadcast_in_dim3A_5 {add = true} : memref<1984xf32, #tpu.memory_space<vmem>>[vector<16xi32>], vector<16xf32>,
      %scatter3A_346 = arith.constant 4160 : i32
      %scatter3A_347 = tpu.memref_slice %arg9[%scatter3A_346] : memref<8192xf32, #tpu.memory_space<vmem>> -> memref<1984xf32, #tpu.memory_space<vmem>>
      tpu.vector_store_idx %scatter3A_347[%add3A_293], %broadcast_in_dim3A_5 {add = true} : memref<1984xf32, #tpu.memory_space<vmem>>[vector<16xi32>], vector<16xf32>,
      %scatter3A_348 = arith.constant 6208 : i32
      %scatter3A_349 = tpu.memref_slice %arg9[%scatter3A_348] : memref<8192xf32, #tpu.memory_space<vmem>> -> memref<1984xf32, #tpu.memory_space<vmem>>
      tpu.vector_store_idx %scatter3A_349[%add3A_294], %broadcast_in_dim3A_5 {add = true} : memref<1984xf32, #tpu.memory_space<vmem>>[vector<16xi32>], vector<16xf32>,
      %scatter3A_350 = arith.constant 0 : i32
      %scatter3A_351 = tpu.memref_slice %arg9[%scatter3A_350] : memref<8192xf32, #tpu.memory_space<vmem>> -> memref<1984xf32, #tpu.memory_space<vmem>>
      tpu.vector_store_idx %scatter3A_351[%add3A_295], %broadcast_in_dim3A_5 {add = true} : memref<1984xf32, #tpu.memory_space<vmem>>[vector<16xi32>], vector<16xf32>,
      %scatter3A_352 = arith.constant 2048 : i32
      %scatter3A_353 = tpu.memref_slice %arg9[%scatter3A_352] : memref<8192xf32, #tpu.memory_space<vmem>> -> memref<1984xf32, #tpu.memory_space<vmem>>
      tpu.vector_store_idx %scatter3A_353[%add3A_296], %broadcast_in_dim3A_5 {add = true} : memref<1984xf32, #tpu.memory_space<vmem>>[vector<16xi32>], vector<16xf32>,
      %scatter3A_354 = arith.constant 4096 : i32
      %scatter3A_355 = tpu.memref_slice %arg9[%scatter3A_354] : memref<8192xf32, #tpu.memory_space<vmem>> -> memref<1984xf32, #tpu.memory_space<vmem>>
      tpu.vector_store_idx %scatter3A_355[%add3A_297], %broadcast_in_dim3A_5 {add = true} : memref<1984xf32, #tpu.memory_space<vmem>>[vector<16xi32>], vector<16xf32>,
      %scatter3A_356 = arith.constant 6144 : i32
      %scatter3A_357 = tpu.memref_slice %arg9[%scatter3A_356] : memref<8192xf32, #tpu.memory_space<vmem>> -> memref<1984xf32, #tpu.memory_space<vmem>>
      tpu.vector_store_idx %scatter3A_357[%add3A_298], %broadcast_in_dim3A_5 {add = true} : memref<1984xf32, #tpu.memory_space<vmem>>[vector<16xi32>], vector<16xf32>,
      %scatter3A_358 = arith.constant 64 : i32
      %scatter3A_359 = tpu.memref_slice %arg9[%scatter3A_358] : memref<8192xf32, #tpu.memory_space<vmem>> -> memref<1984xf32, #tpu.memory_space<vmem>>
      tpu.vector_store_idx %scatter3A_359[%add3A_299], %broadcast_in_dim3A_5 {add = true} : memref<1984xf32, #tpu.memory_space<vmem>>[vector<16xi32>], vector<16xf32>,
      %scatter3A_360 = arith.constant 2112 : i32
      %scatter3A_361 = tpu.memref_slice %arg9[%scatter3A_360] : memref<8192xf32, #tpu.memory_space<vmem>> -> memref<1984xf32, #tpu.memory_space<vmem>>
      tpu.vector_store_idx %scatter3A_361[%add3A_300], %broadcast_in_dim3A_5 {add = true} : memref<1984xf32, #tpu.memory_space<vmem>>[vector<16xi32>], vector<16xf32>,
      %scatter3A_362 = arith.constant 4160 : i32
      %scatter3A_363 = tpu.memref_slice %arg9[%scatter3A_362] : memref<8192xf32, #tpu.memory_space<vmem>> -> memref<1984xf32, #tpu.memory_space<vmem>>
      tpu.vector_store_idx %scatter3A_363[%add3A_301], %broadcast_in_dim3A_5 {add = true} : memref<1984xf32, #tpu.memory_space<vmem>>[vector<16xi32>], vector<16xf32>,
      %scatter3A_364 = arith.constant 6208 : i32
      %scatter3A_365 = tpu.memref_slice %arg9[%scatter3A_364] : memref<8192xf32, #tpu.memory_space<vmem>> -> memref<1984xf32, #tpu.memory_space<vmem>>
      tpu.vector_store_idx %scatter3A_365[%add3A_302], %broadcast_in_dim3A_5 {add = true} : memref<1984xf32, #tpu.memory_space<vmem>>[vector<16xi32>], vector<16xf32>,
    }
    %scan3A_146 = arith.constant 50 : i32
    %add3A_147 = arith.constant 192 : i32
    %add3A_148 = arith.addi %mul3A_2, %add3A_147 : i32
    %mul3A_149 = arith.constant 2 : i32
    %mul3A_150 = arith.muli %add3A_148, %mul3A_149 : i32
    %mul3A_151 = arith.constant 64 : i32
    %mul3A_152 = arith.muli %mul3A_150, %mul3A_151 : i32
    %dma_start3A_153 = tpu.memref_slice %arg3[%mul3A_152] : memref<1048576xf32, #tpu.memory_space<hbm>> -> memref<8192xf32, #tpu.memory_space<hbm>>
    %dma_start3A_154 = tpu.memref_slice %arg3[%mul3A_152] : memref<1048576xf32, #tpu.memory_space<hbm>> -> memref<8192xf32, #tpu.memory_space<hbm>>
    tpu.enqueue_dma source(%arg9 : memref<8192xf32, #tpu.memory_space<vmem>>) target(%dma_start3A_154 : memref<8192xf32, #tpu.memory_space<hbm>>) target_semaphore(%arg13 : memref<!tpu.dma_semaphore, #tpu.memory_space<semaphore_mem>>)
    %dma_wait3A_155 = tpu.memref_slice %arg3[%mul3A_138] : memref<1048576xf32, #tpu.memory_space<hbm>> -> memref<8192xf32, #tpu.memory_space<hbm>>
    %dma_wait3A_156 = tpu.memref_slice %arg3[%mul3A_138] : memref<1048576xf32, #tpu.memory_space<hbm>> -> memref<8192xf32, #tpu.memory_space<hbm>>
    tpu.wait_dma2 semaphore(%arg12 : memref<!tpu.dma_semaphore, #tpu.memory_space<semaphore_mem>>) src(%arg8 : memref<8192xf32, #tpu.memory_space<vmem>>) dst(%dma_wait3A_156 : memref<8192xf32, #tpu.memory_space<hbm>>)
    %dma_wait3A_157 = tpu.memref_slice %arg3[%mul3A_152] : memref<1048576xf32, #tpu.memory_space<hbm>> -> memref<8192xf32, #tpu.memory_space<hbm>>
    %dma_wait3A_158 = tpu.memref_slice %arg3[%mul3A_152] : memref<1048576xf32, #tpu.memory_space<hbm>> -> memref<8192xf32, #tpu.memory_space<hbm>>
    tpu.wait_dma2 semaphore(%arg13 : memref<!tpu.dma_semaphore, #tpu.memory_space<semaphore_mem>>) src(%arg9 : memref<8192xf32, #tpu.memory_space<vmem>>) dst(%dma_wait3A_158 : memref<8192xf32, #tpu.memory_space<hbm>>)
    return
  }
}

module attributes {stable_mosaic.version = 14 : i64} {
  func.func @_tc_head_body(%arg0: i32, %arg1: i32, %arg2: memref<8192x128xf32, #tpu.memory_space<vmem>>, %arg3: memref<64x16xf32, #tpu.memory_space<vmem>>, %arg4: memref<64x16xf32, #tpu.memory_space<vmem>>, %arg5: memref<64x1xf32, #tpu.memory_space<vmem>>, %arg6: memref<64x8192xf32, #tpu.memory_space<vmem>>) attributes {dimension_semantics = [#tpu.dimension_semantics<arbitrary>, #tpu.dimension_semantics<arbitrary>], iteration_bounds = array<i64: 2, 1>, scalar_prefetch = 0 : i64, scratch_operands = 0 : i64, tpu.core_type = #tpu.core_type<tc>, window_params = [{transform_indices = @transform_0, window_bounds = array<i64: 8192, 128>}, {pipeline_mode = #tpu.pipeline_mode<synchronous>, transform_indices = @transform_1, window_bounds = array<i64: 64, 16>}, {pipeline_mode = #tpu.pipeline_mode<synchronous>, transform_indices = @transform_2, window_bounds = array<i64: 64, 16>}, {pipeline_mode = #tpu.pipeline_mode<synchronous>, transform_indices = @transform_3, window_bounds = array<i64: 64, 1>}, {transform_indices = @transform_4, window_bounds = array<i64: 64, 8192>}]} {
    %get3A = arith.constant 0 : index
    %get3A_0 = arith.constant 0 : index
    %get3A_1 = vector.load %arg3[%get3A, %get3A_0] : memref<64x16xf32, #tpu.memory_space<vmem>>, vector<64x16xf32>
    %get3A_2 = arith.constant 0 : index
    %get3A_3 = arith.constant 0 : index
    %get3A_4 = vector.load %arg4[%get3A_2, %get3A_3] : memref<64x16xf32, #tpu.memory_space<vmem>>, vector<64x16xf32>
    %dot_general3A = arith.constant dense<0.000000e+00> : vector<64x64xf32>
    %dot_general3A_5 = tpu.matmul %get3A_1, %get3A_4, %dot_general3A {dimension_numbers = #tpu.dot_dimension_numbers<[1], [1], [0], [0], [0, 0, 1, 0], [], []>, transpose_lhs_hint = false} : vector<64x16xf32>, vector<64x16xf32>, vector<64x64xf32> -> vector<64x64xf32>
    %mul3A = arith.constant 5.000000e-03 : f32
    %mul3A_6 = vector.broadcast %mul3A : f32 to vector<64x64xf32>
    %mul3A_7 = arith.mulf %dot_general3A_5, %mul3A_6 : vector<64x64xf32>
    %concatenate3A = tpu.concatenate %mul3A_7, %mul3A_7 in 0 : vector<64x64xf32>, vector<64x64xf32> -> vector<128x64xf32>
    %iota3A = tpu.iota {dimensions = array<i32: 0>} : vector<128x64xi32>
    %jit3A = arith.constant 64 : i32
    %div3A = vector.broadcast %jit3A : i32 to vector<128x64xi32>
    %div3A_8 = arith.divsi %iota3A, %div3A : vector<128x64xi32>
    %sign3A = arith.constant 0 : i32
    %sign3A_9 = vector.broadcast %sign3A : i32 to vector<128x64xi32>
    %sign3A_10 = arith.cmpi sgt, %iota3A, %sign3A_9 : vector<128x64xi32>
    %sign3A_11 = arith.extui %sign3A_10 : vector<128x64xi1> to vector<128x64xi32>
    %sign3A_12 = arith.constant 0 : i32
    %sign3A_13 = vector.broadcast %sign3A_12 : i32 to vector<128x64xi32>
    %sign3A_14 = arith.cmpi slt, %iota3A, %sign3A_13 : vector<128x64xi32>
    %sign3A_15 = arith.extui %sign3A_14 : vector<128x64xi1> to vector<128x64xi32>
    %sign3A_16 = arith.subi %sign3A_11, %sign3A_15 : vector<128x64xi32>
    %sign3A_17 = arith.constant 0 : i32
    %sign3A_18 = arith.cmpi sgt, %jit3A, %sign3A_17 : i32
    %sign3A_19 = arith.extui %sign3A_18 : i1 to i32
    %sign3A_20 = arith.constant 0 : i32
    %sign3A_21 = arith.cmpi slt, %jit3A, %sign3A_20 : i32
    %sign3A_22 = arith.extui %sign3A_21 : i1 to i32
    %sign3A_23 = arith.subi %sign3A_19, %sign3A_22 : i32
    %ne3A = vector.broadcast %sign3A_23 : i32 to vector<128x64xi32>
    %ne3A_24 = arith.cmpi ne, %sign3A_16, %ne3A : vector<128x64xi32>
    %rem3A = vector.broadcast %jit3A : i32 to vector<128x64xi32>
    %rem3A_25 = arith.remsi %iota3A, %rem3A : vector<128x64xi32>
    %ne3A_26 = arith.constant 0 : i32
    %ne3A_27 = vector.broadcast %ne3A_26 : i32 to vector<128x64xi32>
    %ne3A_28 = arith.cmpi ne, %rem3A_25, %ne3A_27 : vector<128x64xi32>
    %and3A = arith.andi %ne3A_24, %ne3A_28 : vector<128x64xi1>
    %sub3A = arith.constant 1 : i32
    %sub3A_29 = vector.broadcast %sub3A : i32 to vector<128x64xi32>
    %sub3A_30 = arith.subi %div3A_8, %sub3A_29 : vector<128x64xi32>
    %select_n3A = arith.select %and3A, %sub3A_30, %div3A_8 : vector<128x64xi1>, vector<128x64xi32>
    %eq3A = vector.broadcast %arg0 : i32 to vector<128x64xi32>
    %eq3A_31 = arith.cmpi eq, %select_n3A, %eq3A : vector<128x64xi32>
    %jit3A_32 = arith.constant 0.000000e+00 : f32
    %broadcast_in_dim3A = vector.broadcast %jit3A_32 : f32 to vector<128x64xf32>
    %select_n3A_33 = arith.select %eq3A_31, %concatenate3A, %broadcast_in_dim3A : vector<128x64xi1>, vector<128x64xf32>
    %get3A_34 = arith.constant 0 : index
    %get3A_35 = arith.constant 0 : index
    %get3A_36 = vector.load %arg2[%get3A_34, %get3A_35] : memref<8192x128xf32, #tpu.memory_space<vmem>>, vector<8192x128xf32>
    %dot_general3A_37 = arith.constant dense<0.000000e+00> : vector<64x8192xf32>
    %dot_general3A_38 = tpu.matmul %select_n3A_33, %get3A_36, %dot_general3A_37 {dimension_numbers = #tpu.dot_dimension_numbers<[0], [1], [1], [0], [0, 1, 1, 0], [], []>, transpose_lhs_hint = false} : vector<128x64xf32>, vector<8192x128xf32>, vector<64x8192xf32> -> vector<64x8192xf32>
    %get3A_39 = arith.constant 0 : index
    %get3A_40 = arith.constant 0 : index
    %get3A_41 = vector.load %arg5[%get3A_39, %get3A_40] : memref<64x1xf32, #tpu.memory_space<vmem>>, vector<64x1xf32>
    %add3A = vector.broadcast %get3A_41 : vector<64x1xf32> to vector<64x8192xf32>
    %add3A_42 = arith.addf %dot_general3A_38, %add3A : vector<64x8192xf32>
    %swap3A = arith.constant 0 : index
    %swap3A_43 = arith.constant 0 : index
    %swap3A_44 = vector.load %arg6[%swap3A, %swap3A_43] : memref<64x8192xf32, #tpu.memory_space<vmem>>, vector<64x8192xf32>
    tpu.vector_store %arg6[%swap3A, %swap3A_43], %add3A_42 {strides = array<i32>} : memref<64x8192xf32, #tpu.memory_space<vmem>>, vector<64x8192xf32>,
    return
  }
  func.func @transform_0(%arg0: i32, %arg1: i32) -> (i32, i32) {
    %c0_i32 = arith.constant 0 : i32
    %c0_i32_0 = arith.constant 0 : i32
    return %arg1, %c0_i32 : i32, i32
  }
  func.func @transform_1(%arg0: i32, %arg1: i32) -> (i32, i32) {
    %c0_i32 = arith.constant 0 : i32
    %c0_i32_0 = arith.constant 0 : i32
    %c0_i32_1 = arith.constant 0 : i32
    return %c0_i32, %c0_i32_0 : i32, i32
  }
  func.func @transform_2(%arg0: i32, %arg1: i32) -> (i32, i32) {
    %c0_i32 = arith.constant 0 : i32
    %c0_i32_0 = arith.constant 0 : i32
    %c0_i32_1 = arith.constant 0 : i32
    return %c0_i32, %c0_i32_0 : i32, i32
  }
  func.func @transform_3(%arg0: i32, %arg1: i32) -> (i32, i32) {
    %c0_i32 = arith.constant 0 : i32
    %c0_i32_0 = arith.constant 0 : i32
    %c0_i32_1 = arith.constant 0 : i32
    return %c0_i32, %c0_i32_0 : i32, i32
  }
  func.func @transform_4(%arg0: i32, %arg1: i32) -> (i32, i32) {
    %mul3A = arith.constant 1 : i32
    %mul3A_0 = arith.muli %arg0, %mul3A : i32
    %add3A = arith.addi %mul3A_0, %arg1 : i32
    %c0_i32 = arith.constant 0 : i32
    %c0_i32_1 = arith.constant 0 : i32
    return %c0_i32, %add3A : i32, i32
  }
}

</mosaic_0001>

<sc_bundles>
// kernel: kernel.4.cloned.1.call-start
scs
__scs_entry_jumppad:
0x0: {  	(pc) =	sbr.rel $0x88, $3  }
0x1: {  	(tag) =	ssettag $0x0;
	lr =	simm.s32 $0x1  }
0x2: {  	[smem:$0x3F9D] =	sst lr;
	_ =	strace $0xD0000000  }
0x3: {  	_ = 	snop  }
0x4: {  	_ = 	snop  }
0x5: {  	_ = 	snop  }
0x6: {  	_ = 	snop  }
0x7: {  	_ = 	snop  }
__scs_overlays_trampoline_lowered:
0x8: {  	[smem:$0x3FAC] =	sst s0  }
0x9: {  	[smem:$0x3FAD] =	sst s1  }
0xa: {  	[smem:$0x3FAE] =	sst s2  }
0xb: {  	[smem:$0x3FAF] =	sst s3  }
0xc: {  	[smem:$0x3FB0] =	sst s4  }
0xd: {  	[smem:$0x3FB1] =	sst s5  }
0xe: {  	[smem:$0x3FB2] =	sst s6  }
0xf: {  	[smem:$0x3FB3] =	sst s7  }
0x10: {  	[smem:$0x3FB4] =	sst s8  }
0x11: {  	[smem:$0x3FB5] =	sst s9;
	s0 =	simm.s32 @!p0 $0x0  }
0x12: {  	s1 =	sld [smem:$0x3F9B];
	s0 =	simm.s32 @p0 $0x1  }
0x13: {  	[smem:$0x3FB6] =	sst s0;
	s0 =	simm.s32 @!p1 $0x0  }
0x14: {  	s2 =	sld [smem:$0x3F9A];
	s0 =	simm.s32 @p1 $0x1  }
0x15: {  	[smem:$0x3FB7] =	sst s0;
	s0 =	simm.s32 @!p2 $0x0  }
0x16: {  	s3 =	sld [smem:$0x3FDB];
	s0 =	simm.s32 @p2 $0x1  }
0x17: {  	s4 =	simm.s32 $0x1BF5;
	[smem:$0x3FB9] =	sst s0  }
0x18: {  	s0 =	sld [smem:$0x3F9C];
	_ =	swait.ge [sflag:s4], $0x0  }
0x19: {  	s7 =	sld [smem:$0x3F9D]  }
0x1a: {  	s8 =	sadd.s32 $0xFFFFE003, lr  }
0x1b: {  	s9 =	sadd.s32 $0xFFFFFEF7, lr;
	s5 =	simm.s32 $0xFFFFFFFF;
	p2 =	slt.u32 s8, $0xFFFFF086  }
0x1c: {  	p1 =	slt.u32 s9, $0xF7A;
	s5 =	simm.s32 @!p2 $0x0  }
0x1d: {  	s5 =	simm.s32 @p1 $0x1;
	p0 =	seq.s32 s7, s2  }
0x1e: {  	s7 =	smul.u32 @!p0 $0xF7A, s2;
	p2 =	seq.s32 @!p0 s5, $0x0  }
0x1f: {  	s9 =	smul.u32 $0xF7A, s1;
	s8 =	simm.s32 @!p0 $0x1BF5;
	p2 =	por !p2, p0  }
0x20: {  	[sflag:s8] =	ssyncset.s32 @!p0 $0xFFFFF086;
	s6 =	sadd.s32 @!p0 s3, s7;
	s7 =	simm.s32 @!p0 $0x108  }
0x21: {  	s3 =	sadd.s32 s3, s9;
	s6 =	sadd.s32 @!p0 $0x88, s6;
	s7 =	simm.s32 @p2 $0x1082  }
0x22: {  	[simem:s7], [sflag:s8] =	dma.local @!p0 [hbm:s6], $0xF7A  }
0x23: {  	s9 =	sor.u32 $0xD0000000, s2;
	s6 =	simm.s32 $0x108;
	_ =	swait.ge @!p0 [sflag:s8], $0x0  }
0x24: {  	s3 =	sadd.s32 $0x88, s3;
	s6 =	simm.s32 @!p1 $0x1082;
	[sflag:s4] =	ssyncset.s32 $0xFFFFF086  }
0x25: {  	[simem:s6], [sflag:s4] =	dma.local [hbm:s3], $0xF7A  }
0x26: {  	[smem:$0x3F9D] =	sst s1;
	(tag) =	ssettag s2;
	_ =	strace s9  }
0x27: {  	s1 =	sld [smem:$0x3FAD]  }
0x28: {  	s2 =	sld [smem:$0x3FAE]  }
0x29: {  	s4 =	sld [smem:$0x3FB0]  }
0x2a: {  	p0 =	seq.s32 s5, $0x0;
	s5 =	sld [smem:$0x3FB1]  }
0x2b: {  	s6 =	sld [smem:$0x3FB2]  }
0x2c: {  	s7 =	sld [smem:$0x3FB3]  }
0x2d: {  	s3 =	simm.s32 $0x108;
	s8 =	sld [smem:$0x3FB4]  }
0x2e: {  	s3 =	simm.s32 @!p0 $0x1082;
	s9 =	sld [smem:$0x3FB5]  }
0x2f: {  	lr =	sadd.s32 s0, s3;
	s0 =	sld [smem:$0x3FAC]  }
0x30: {  	s3 =	sld [smem:$0x3FAF]  }
0x31: {  	[smem:$0x3FB8] =	sst s10  }
0x32: {  	s10 =	sld [smem:$0x3FB6];
	_ =	sdelay $0x3  }
0x33: {  	p0 =	seq.s32 s10, $0x1;
	s10 =	sld [smem:$0x3FB8];
	_ =	sdelay $0x3  }
0x34: {  	[smem:$0x3FB8] =	sst s10  }
0x35: {  	s10 =	sld [smem:$0x3FB7];
	_ =	sdelay $0x3  }
0x36: {  	p1 =	seq.s32 s10, $0x1;
	s10 =	sld [smem:$0x3FB8];
	_ =	sdelay $0x3  }
0x37: {  	[smem:$0x3FB8] =	sst s10  }
0x38: {  	s10 =	sld [smem:$0x3FB9]  }
0x39: {  	_ = 	snop;
	(pc) =	sbr.ind lr, $3  }
0x3a: {  	_ = 	snop  }
0x3b: {  	_ = 	snop  }
0x3c: {  	p2 =	seq.s32 s10, $0x1;
	s10 =	sld [smem:$0x3FB8]  }
0x3d: {  	_ =	shalt  }
0x3e: {  	_ =	shalt  }
0x3f: {  	_ =	shalt  }
0x40: {  	_ =	shalt  }
0x41: {  	_ =	shalt  }
0x42: {  	_ =	shalt  }
0x43: {  	_ =	shalt  }
0x44: {  	_ =	shalt  }
0x45: {  	_ =	shalt  }
0x46: {  	_ =	shalt  }
0x47: {  	_ =	shalt  }
0x48: {  	_ =	shalt  }
0x49: {  	_ =	shalt  }
0x4a: {  	_ =	shalt  }
0x4b: {  	_ =	shalt  }
0x4c: {  	_ =	shalt  }
0x4d: {  	_ =	shalt  }
0x4e: {  	_ =	shalt  }
0x4f: {  	_ =	shalt  }
0x50: {  	_ =	shalt  }
0x51: {  	_ =	shalt  }
0x52: {  	_ =	shalt  }
0x53: {  	_ =	shalt  }
0x54: {  	_ =	shalt  }
0x55: {  	_ =	shalt  }
0x56: {  	_ =	shalt  }
0x57: {  	_ =	shalt  }
0x58: {  	_ =	shalt  }
0x59: {  	_ =	shalt  }
0x5a: {  	_ =	shalt  }
0x5b: {  	_ =	shalt  }
0x5c: {  	_ =	shalt  }
0x5d: {  	_ =	shalt  }
0x5e: {  	_ =	shalt  }
0x5f: {  	_ =	shalt  }
0x60: {  	_ =	shalt  }
0x61: {  	_ =	shalt  }
0x62: {  	_ =	shalt  }
0x63: {  	_ =	shalt  }
0x64: {  	_ =	shalt  }
0x65: {  	_ =	shalt  }
0x66: {  	_ =	shalt  }
0x67: {  	_ =	shalt  }
0x68: {  	_ =	shalt  }
0x69: {  	_ =	shalt  }
0x6a: {  	_ =	shalt  }
0x6b: {  	_ =	shalt  }
0x6c: {  	_ =	shalt  }
0x6d: {  	_ =	shalt  }
0x6e: {  	_ =	shalt  }
0x6f: {  	_ =	shalt  }
0x70: {  	_ =	shalt  }
0x71: {  	_ =	shalt  }
0x72: {  	_ =	shalt  }
0x73: {  	_ =	shalt  }
0x74: {  	_ =	shalt  }
0x75: {  	_ =	shalt  }
0x76: {  	_ =	shalt  }
0x77: {  	_ =	shalt  }
0x78: {  	_ =	shalt  }
0x79: {  	_ =	shalt  }
0x7a: {  	_ =	shalt  }
0x7b: {  	_ =	shalt  }
0x7c: {  	_ =	shalt  }
0x7d: {  	_ =	shalt  }
0x7e: {  	_ =	shalt  }
0x7f: {  	_ =	shalt  }
0x80: {  	_ =	shalt  }
0x81: {  	_ =	shalt  }
0x82: {  	_ =	shalt  }
0x83: {  	_ =	shalt  }
0x84: {  	_ =	shalt  }
0x85: {  	_ =	shalt  }
0x86: {  	_ =	shalt  }
0x87: {  	_ =	shalt  }
.Lfunc_end0:
.L_simem_size_0:
called_computation_lowered:
.L_overlay_start_0:
0x88: {  	s2 =	sld [smem:$0x3FD9]  }
0x89: {  	s3 =	sld [smem:$0x3FFE];
	_ =	sdelay $0x1  }
0x8a: {  	s1 =	srdreg.scid  }
0x8b: {  	s0 =	sand.u32 $0x1, s1  }
0x8c: {  	s18 =	sshll.u32 s0, $0xA;
	s2 =	sadd.s32 s3, s2  }
0x8d: {  	s2 =	sadd.s32 s2, s18  }
0x8e: {  	[smem:$0x3FC4] =	sst s2  }
0x8f: {  	_ = 	snop  }
0x90: {  	s2 =	sld [smem:$0x3FC9]  }
0x91: {  	s19 =	sld [smem:$0x3FD0];
	(tm) =	ssettm $0x1  }
0x92: {  	s4 =	sld [smem:$0x3FFB];
	_ =	sdelay $0x3  }
0x93: {  	_ =	strace s4  }
0x94: {  	s4 =	sld [smem:$0x3FFC];
	_ =	sdelay $0x3  }
0x95: {  	_ =	strace s4  }
0x96: {  	s4 =	sld [smem:$0x3FFD];
	_ =	sdelay $0x3  }
0x97: {  	_ =	strace s4  }
0x98: {  	_ =	strace $0x8FFFFFFF  }
0x99: {  	s20 =	sld [smem:$0x3FDB];
	_ =	sdelay $0x1  }
0x9a: {  	s5 =	simm.s32 $_scs_section_size  }
0x9b: {  	s6 =	simm.s32 $_size__tile_overlayer_lowered;
	s7 =	simm.s32 $_tile_overlayer_lowered  }
0x9c: {  	s23 =	simm.s32 $0x1BFF;
	s22 =	sshll.u32 s7, $0x1;
	s4 =	sadd.s32 s5, s20  }
0x9d: {  	s8 =	simm.s32 $0x0;
	s21 =	sshll.u32 s6, $0x1;
	s6 =	sadd.s32 s22, s4  }
0x9e: {  	[timem:s8], [sflag:s23] =	dma.local [hbm:s6], s21  }
0x9f: {  	_ =	swait.ge [sflag:s23], s21  }
0xa0: {  	s5 =	ssub.s32 $0x0, s21;
	[sflag:s23] =	ssyncset.done $0x0  }
0xa1: {  	[sflag:s23] =	ssyncadd.s32 s5;
	_ =	sdelay $0x1  }
0xa2: {  	s24 =	simm.s32 $0x1B8B  }
0xa3: {  	_ =	swait.ge [sflag:s24], $0x1  }
0xa4: {  	[sflag:s24] =	ssyncset.done $0x0  }
0xa5: {  	s25 =	simm.s32 $0x1B8E;
	[sflag:s24] =	ssyncadd.s32 $0xFFFFFFFF  }
0xa6: {  	s26 =	simm.s32 $execute0_lowered;
	[smem:$0x3FD2] =	sst s25  }
0xa7: {  	s5 =	sshll.u32 s26, $0x1;
	_ =	strace $0x80000046;
	[dreg:$0x1] =	wrdreg $0xFFFFFFFF  }
0xa8: {  	s28 =	simm.s32 $_size_execute0_lowered;
	s4 =	sadd.s32 s4, s5;
	[dreg:$0x0] =	wrdreg $0x0  }
0xa9: {  	s5 =	sshll.u32 s28, $0x1;
	[dreg:$0x2] =	wrdreg s4  }
0xaa: {  	[dreg:$0x3] =	wrdreg s5  }
0xab: {  	[dreg:$0x4] =	wrdreg $0xC0  }
0xac: {  	_ =	task [dreg:s8], $0x5FFFF  }
0xad: {  	[dreg:$0x1] =	wrdreg $0xFFFFFFFF  }
0xae: {  	[dreg:$0x0] =	wrdreg $0x60  }
0xaf: {  	[dreg:$0x2] =	wrdreg s2  }
0xb0: {  	[dreg:$0x3] =	wrdreg s19  }
0xb1: {  	[dreg:$0x4] =	wrdreg $0x9  }
0xb2: {  	_ =	task.clear_ibuf [dreg:s8], $0x5FFFF;
	_ =	strace $0x90000046  }
0xb3: {  	s29 =	simm.s32 $0x9;
	_ =	strace $0x80000048  }
0xb4: {  	_ =	swait.ge [sflag:s29], $0x1  }
0xb5: {  	[sflag:s29] =	ssyncadd.s32 $0xFFFFFFFF  }
0xb6: {  	_ =	strace $0x90000048  }
0xb7: {  	_ =	sfence  }
0xb8: {  	s30 =	sld [smem:$0x0];
	_ =	sdelay $0x2  }
0xb9: {  	s31 =	sshll.u32 s1, $0xD;
	s1 =	sshrl.u32 s1, $0x2  }
0xba: {  	s3 =	sand.u32 $0x4000, s31;
	s1 =	sadd.s32 s1, s30  }
0xbb: {  	s0 =	sor.u32 s3, s0;
	s1 =	sshll.u32 s1, $0x11  }
0xbc: {  	s0 =	sor.u32 s1, s0  }
0xbd: {  	s0 =	sadd.s32 $0x8F2B, s0  }
0xbe: {  	[sflag:s0] =	ssyncadd.remote.s32 $0x1  }
0xbf: {  	_ =	sfence.sel $0xFFFF  }
0xc0: {  	[dreg:$0x0] =	wrdreg $0xFFFFFFFF;
	(pc) =	sbr.abs _section_cstart, $3  }
0xc1: {  	[dreg:$0x1] =	wrdreg $0xFFFFFFFF  }
0xc2: {  	_ =	task.clear_ibuf [dreg:s8], $0x2FFFF;
	_ =	strace $0x9FFFFFFF  }
0xc3: {  	(tm) =	ssettm $0x7FFFFFFF  }
tec
execute0_lowered:
.L_overlay_start_1:
0x0: {  	(tag) =	ssettag $0x1  }
0x1: {  	s0 =	rddreg [dreg:$0x0]  }
0x2: {  	s1 =	rddreg [dreg:$0x1]  }
0x3: {  	s2 =	srdreg.scid;
	s3 =	stileid.u32  }
0x4: {  	s6 =	simm.s32 $0x0;
	s12 =	simm.s32 $0x400;
	s13 =	simm.s32 $0x20000  }
0x5: {  	s15 =	simm.s32 $0x1;
	s18 =	simm.s32 $0x19000;
	s19 =	simm.s32 $0x19800  }
0x6: {  	s20 =	simm.s32 $0x1A000;
	s28 =	simm.s32 $0x1B000;
	s29 =	simm.s32 $0x1B800  }
0x7: {  	s30 =	simm.s32 $0x1C000;
	s31 =	simm.s32 $0x1C800;
	s14 =	simm.s32 $0x1C040  }
0x8: {  	s16 =	simm.s32 $0x1C840;
	s17 =	simm.s32 $0x2;
	s2 =	sand.u32 $0x1, s2  }
0x9: {  	s3 =	sshll.u32 s3, $0x1;
	[smem:$0x7FF] =	sst s6;
	s4 =	ssub.s32 $0x2, s2  }
0xa: {  	s2 =	sor.u32 s2, s3;
	_ =	strace $0x80000047;
	s21 =	sshrl.u32 s4, $0x1  }
0xb: {  	s5 =	sshll.u32 s2, $0x8;
	s22 =	sshll.u32 s2, $0xC;
	s2 =	simm.s32 $0x4  }
0xc: {  	s4 =	ssub.s32 s4, s21;
	s3 =	sadd.s32 s0, s5;
	s5 =	sor.u32 $0x80, s5  }
0xd: {  	s21 =	simm.s32 $0x1A800;
	s7 =	sadd.s32 $0x2000, s3;
	s0 =	sadd.s32 s0, s5  }
0xe: {  	s23 =	sadd.s32 $0x2080, s3;
	s24 =	sshll.u32 s5, $0x4;
	[dreg:$0x3] =	wrdreg s7  }
0xf: {  	s11 =	smax.u32 s4, $0x1;
	s4 =	simm.s32 $0x0;
	[dreg:$0x4] =	wrdreg s0  }
0x10: {  	[dreg:$0x5] =	wrdreg s23;
	s7 =	sadd.s32 s1, s22;
	s0 =	sadd.s32 s1, s24  }
0x11: {  	s22 =	simm.s32 $0x19040;
	s23 =	simm.s32 $0x19840;
	s24 =	simm.s32 $0x1A040  }
0x12: {  	s1 =	simm.s32 $0x1B840;
	s25 =	sadd.s32 $0x400, s7;
	[dreg:$0x7] =	wrdreg s0  }
0x13: {  	v1 =	vlaneseq.u32;
	s26 =	sadd.s32 $0xC00, s7;
	s0 =	simm.s32 $0x1B040;
	[dreg:$0x6] =	wrdreg s25  }
0x14: {  	v0 =	vimm.f32 $0.0e+00;
	v2 =	vimm.f32 $1.000000000e+00;
	v1 =	vmul.u32 $0x80, v1;
	[dreg:$0x8] =	wrdreg s26;
	s25 =	simm.s32 $0x1A840;
	s26 =	simm.s32 $0x3  }
.LBB2_1:
0x15: {  	[tilespmem:s6], [sflag:$0x1] =	stream.strided.gather [hbm4b:s3+s12], $0x6400, s13, s12, $0x38;
	[tilespmem:$0x1D000] =	vst v63  }
0x16: {  	s5 =	rddreg [dreg:$0x3];
	s10 =	simm.s32 $0xC800  }
0x17: {  	[tilespmem:s10], [sflag:$0x1] =	stream.strided.gather [hbm4b:s5+s12], $0x6400, s13, s12, $0x38;
	[tilespmem:$0x1D000] =	vst v63  }
0x18: {  	[tilespmem:s22+$0x30] =	vst v0  }
0x19: {  	[tilespmem:s22+$0xFFFFFFF0] =	vst v0  }
0x1a: {  	[tilespmem:s22+$0xFFFFFFC0] =	vst v0  }
0x1b: {  	[tilespmem:s22+$0xFFFFFFE0] =	vst v0  }
0x1c: {  	[tilespmem:s22+$0x10] =	vst v0  }
0x1d: {  	[tilespmem:s22+$0x20] =	vst v0  }
0x1e: {  	[tilespmem:s22+$0x0] =	vst v0  }
0x1f: {  	[tilespmem:s22+$0xFFFFFFD0] =	vst v0  }
0x20: {  	[tilespmem:s0+$0xFFFFFFC0] =	vst v0  }
0x21: {  	[tilespmem:s0+$0x30] =	vst v0  }
0x22: {  	[tilespmem:s0+$0x20] =	vst v0  }
0x23: {  	[tilespmem:s0+$0x10] =	vst v0  }
0x24: {  	[tilespmem:s0+$0xFFFFFFE0] =	vst v0  }
0x25: {  	[tilespmem:s0+$0x0] =	vst v0  }
0x26: {  	s6 =	simm.s32 $0x1B040;
	s8 =	simm.s32 $0x19040;
	s5 =	simm.s32 $0x0;
	[tilespmem:s0+$0xFFFFFFF0] =	vst v0  }
.LBB2_2:
0x27: {  	s5 =	sadd.s32 $0x8, s5;
	[tilespmem:s6+$0xFFFFFFD0] =	vst v0;
	s8 =	sadd.s32 $0x80, s8;
	s6 =	sadd.s32 $0x80, s6  }
0x28: {  	[tilespmem:s8+$0x30] =	vst v0;
	p0 =	slt.u32 s5, $0x1F8  }
0x29: {  	[tilespmem:s8+$0xFFFFFFF0] =	vst v0  }
0x2a: {  	[tilespmem:s8+$0xFFFFFFC0] =	vst v0  }
0x2b: {  	[tilespmem:s6+$0xFFFFFFC0] =	vst v0  }
0x2c: {  	[tilespmem:s6+$0x30] =	vst v0  }
0x2d: {  	[tilespmem:s8+$0xFFFFFFE0] =	vst v0  }
0x2e: {  	[tilespmem:s8+$0x10] =	vst v0  }
0x2f: {  	[tilespmem:s8+$0x20] =	vst v0  }
0x30: {  	[tilespmem:s6+$0x20] =	vst v0  }
0x31: {  	[tilespmem:s6+$0x10] =	vst v0  }
.Ltmp0:
0x32: {  	[tilespmem:s6+$0xFFFFFFE0] =	vst v0;
	(pc) =	sbr.rel @p0 .LBB2_2-.Ltmp0, $4  }
0x33: {  	[tilespmem:s8+$0x0] =	vst v0  }
0x34: {  	[tilespmem:s6+$0x0] =	vst v0  }
0x35: {  	[tilespmem:s6+$0xFFFFFFF0] =	vst v0  }
0x36: {  	[tilespmem:s8+$0xFFFFFFD0] =	vst v0  }
0x37: {  	[tilespmem:s6+$0xFFFFFFD0] =	vst v0  }
0x38: {  	_ =	swait.ge [sflag:s15], $0x6400  }
0x39: {  	[sflag:s15] =	ssyncset.done $0x0  }
0x3a: {  	[sflag:s15] =	ssyncadd.s32 $0xFFFF9C00  }
0x3b: {  	_ =	swait.ge [sflag:s15], $0x6400  }
0x3c: {  	[sflag:s15] =	ssyncset.done $0x0  }
0x3d: {  	s10 =	simm.s32 $0x6400;
	s5 =	rddreg [dreg:$0x4];
	[sflag:s15] =	ssyncadd.s32 $0xFFFF9C00  }
0x3e: {  	[tilespmem:s10], [sflag:$0x2] =	stream.strided.gather [hbm4b:s5+s12], $0x6400, s13, s12, $0x38;
	[tilespmem:$0x1D000] =	vst v63  }
0x3f: {  	s9 =	simm.s32 $0x12C00;
	s8 =	rddreg [dreg:$0x5];
	s10 =	simm.s32 $0x0  }
0x40: {  	[tilespmem:s9], [sflag:$0x2] =	stream.strided.gather [hbm4b:s8+s12], $0x6400, s13, s12, $0x38;
	[tilespmem:$0x1D000] =	vst v63  }
0x41: {  	v3 =	vld [tilespmem:s10+$0xC9B0]  }
0x42: {  	v4 =	vld [tilespmem:s10+$0xC9A0]  }
0x43: {  	v5 =	vld [tilespmem:s10+$0xC990]  }
0x44: {  	v6 =	vld [tilespmem:s10+$0xC980]  }
0x45: {  	v7 =	vld [tilespmem:s10+$0x1B0]  }
0x46: {  	v8 =	vld [tilespmem:s10+$0x110]  }
0x47: {  	v9 =	vld [tilespmem:s10+$0xC8B0]  }
0x48: {  	v10 =	vld [tilespmem:s10+$0xC8A0]  }
0x49: {  	v11 =	vld [tilespmem:s10+$0xB0]  }
0x4a: {  	v12 =	vld [tilespmem:s10+$0xC890]  }
0x4b: {  	v13 =	vld [tilespmem:s10+$0xC880]  }
0x4c: {  	v14 =	vld [tilespmem:s10+$0xC830]  }
0x4d: {  	v15 =	vld [tilespmem:s10+$0xC800]  }
0x4e: {  	v16 =	vld [tilespmem:s10+$0xC810]  }
0x4f: {  	v17 =	vld [tilespmem:s10+$0xC820]  }
0x50: {  	v18 =	vld [tilespmem:s10+$0x100]  }
0x51: {  	v19 =	vld [tilespmem:s10+$0x90]  }
0x52: {  	v20 =	vld [tilespmem:s10+$0xA0]  }
0x53: {  	v21 =	vld [tilespmem:s10+$0x80]  }
0x54: {  	v22 =	vld [tilespmem:s10+$0x30]  }
0x55: {  	v23 =	vld [tilespmem:s10+$0x10]  }
0x56: {  	v24 =	vld [tilespmem:s10+$0x20]  }
0x57: {  	v25 =	vld [tilespmem:s10+$0x0]  }
0x58: {  	v26 =	vld [tilespmem:s10+$0xC930]  }
0x59: {  	v27 =	vld [tilespmem:s10+$0x180]  }
0x5a: {  	v28 =	vld [tilespmem:s10+$0x190]  }
0x5b: {  	v29 =	vld [tilespmem:s10+$0x1A0]  }
0x5c: {  	v30 =	vld [tilespmem:s10+$0xC910];
	v25 =	vadd.s32 v1, v25  }
0x5d: {  	v31 =	vld [tilespmem:s10+$0x130];
	v23 =	vadd.s32 v1, v23  }
0x5e: {  	v32 =	vld [tilespmem:s10+$0xC900];
	v24 =	vadd.s32 v1, v24  }
0x5f: {  	v33 =	vld [tilespmem:s10+$0x120];
	v22 =	vadd.s32 v1, v22  }
0x60: {  	v34 =	vld [tilespmem:s10+$0xC920];
	v15 =	vadd.s32 v1, v15  }
0x61: {  	v16 =	vadd.s32 v1, v16;
	[tilespmem:v25+s18+$0x0] =	vst.idx.add.f32.msk $0xffff, v2  }
0x62: {  	v17 =	vadd.s32 v1, v17;
	[tilespmem:v23+s19+$0x0] =	vst.idx.add.f32.msk $0xffff, v2  }
0x63: {  	v14 =	vadd.s32 v1, v14;
	[tilespmem:v24+s20+$0x0] =	vst.idx.add.f32.msk $0xffff, v2  }
0x64: {  	v21 =	vadd.s32 v1, v21;
	[tilespmem:v22+s21+$0x0] =	vst.idx.add.f32.msk $0xffff, v2  }
0x65: {  	v19 =	vadd.s32 v1, v19;
	[tilespmem:v15+s22+$0x0] =	vst.idx.add.f32.msk $0xffff, v2  }
0x66: {  	v53 =	vadd.s32 v1, v20;
	[tilespmem:v16+s23+$0x0] =	vst.idx.add.f32.msk $0xffff, v2  }
0x67: {  	v11 =	vadd.s32 v1, v11;
	[tilespmem:v17+s24+$0x0] =	vst.idx.add.f32.msk $0xffff, v2  }
0x68: {  	v13 =	vadd.s32 v1, v13;
	[tilespmem:v14+s25+$0x0] =	vst.idx.add.f32.msk $0xffff, v2  }
0x69: {  	v12 =	vadd.s32 v1, v12;
	[tilespmem:v21+s18+$0x0] =	vst.idx.add.f32.msk $0xffff, v2  }
0x6a: {  	v10 =	vadd.s32 v1, v10;
	[tilespmem:v19+s19+$0x0] =	vst.idx.add.f32.msk $0xffff, v2  }
0x6b: {  	v9 =	vadd.s32 v1, v9;
	[tilespmem:v53+s20+$0x0] =	vst.idx.add.f32.msk $0xffff, v2  }
0x6c: {  	v54 =	vadd.s32 v1, v18;
	[tilespmem:v11+s21+$0x0] =	vst.idx.add.f32.msk $0xffff, v2  }
0x6d: {  	v8 =	vadd.s32 v1, v8;
	[tilespmem:v13+s22+$0x0] =	vst.idx.add.f32.msk $0xffff, v2  }
0x6e: {  	v55 =	vadd.s32 v1, v33;
	[tilespmem:v12+s23+$0x0] =	vst.idx.add.f32.msk $0xffff, v2  }
0x6f: {  	v56 =	vadd.s32 v1, v31;
	[tilespmem:v10+s24+$0x0] =	vst.idx.add.f32.msk $0xffff, v2  }
0x70: {  	v57 =	vadd.s32 v1, v32;
	[tilespmem:v9+s25+$0x0] =	vst.idx.add.f32.msk $0xffff, v2  }
0x71: {  	v58 =	vadd.s32 v1, v30;
	[tilespmem:v54+s18+$0x0] =	vst.idx.add.f32.msk $0xffff, v2  }
0x72: {  	v59 =	vadd.s32 v1, v34;
	[tilespmem:v8+s19+$0x0] =	vst.idx.add.f32.msk $0xffff, v2  }
0x73: {  	v60 =	vadd.s32 v1, v26;
	[tilespmem:v55+s20+$0x0] =	vst.idx.add.f32.msk $0xffff, v2  }
0x74: {  	v61 =	vadd.s32 v1, v27;
	[tilespmem:v56+s21+$0x0] =	vst.idx.add.f32.msk $0xffff, v2  }
0x75: {  	v62 =	vadd.s32 v1, v28;
	[tilespmem:v57+s22+$0x0] =	vst.idx.add.f32.msk $0xffff, v2  }
0x76: {  	v63 =	vadd.s32 v1, v29;
	[tilespmem:v58+s23+$0x0] =	vst.idx.add.f32.msk $0xffff, v2  }
0x77: {  	v7 =	vadd.s32 v1, v7;
	[tilespmem:v59+s24+$0x0] =	vst.idx.add.f32.msk $0xffff, v2  }
0x78: {  	v6 =	vadd.s32 v1, v6;
	[tilespmem:v60+s25+$0x0] =	vst.idx.add.f32.msk $0xffff, v2  }
0x79: {  	v5 =	vadd.s32 v1, v5;
	[tilespmem:v61+s18+$0x0] =	vst.idx.add.f32.msk $0xffff, v2  }
0x7a: {  	v4 =	vadd.s32 v1, v4;
	[tilespmem:v62+s19+$0x0] =	vst.idx.add.f32.msk $0xffff, v2  }
0x7b: {  	v3 =	vadd.s32 v1, v3;
	[tilespmem:v63+s20+$0x0] =	vst.idx.add.f32.msk $0xffff, v2  }
0x7c: {  	[tilespmem:v7+s21+$0x0] =	vst.idx.add.f32.msk $0xffff, v2  }
0x7d: {  	[tilespmem:v6+s22+$0x0] =	vst.idx.add.f32.msk $0xffff, v2  }
0x7e: {  	[tilespmem:v5+s23+$0x0] =	vst.idx.add.f32.msk $0xffff, v2  }
0x7f: {  	s5 =	simm.s32 $0x800;
	[tilespmem:v4+s24+$0x0] =	vst.idx.add.f32.msk $0xffff, v2  }
.LBB2_4:
0x80: {  	s6 =	sshra.s32 s5, $0x2;
	p0 =	sne.s32 s5, $0x18800;
	s5 =	sadd.s32 $0x800, s5;
	[tilespmem:v3+s25+$0x0] =	vst.idx.add.f32.msk $0xffff, v2  }
0x81: {  	v3 =	vld [tilespmem:s6+$0xC9B0]  }
0x82: {  	v4 =	vld [tilespmem:s6+$0xC9A0]  }
0x83: {  	v5 =	vld [tilespmem:s6+$0xC990]  }
0x84: {  	v6 =	vld [tilespmem:s6+$0xC980]  }
0x85: {  	v7 =	vld [tilespmem:s6+$0x1B0]  }
0x86: {  	v8 =	vld [tilespmem:s6+$0x110]  }
0x87: {  	v9 =	vld [tilespmem:s6+$0xC8B0]  }
0x88: {  	v10 =	vld [tilespmem:s6+$0xC8A0]  }
0x89: {  	v11 =	vld [tilespmem:s6+$0xB0]  }
0x8a: {  	v12 =	vld [tilespmem:s6+$0xC890]  }
0x8b: {  	v13 =	vld [tilespmem:s6+$0xC880]  }
0x8c: {  	v14 =	vld [tilespmem:s6+$0xC830]  }
0x8d: {  	v15 =	vld [tilespmem:s6+$0xC800]  }
0x8e: {  	v16 =	vld [tilespmem:s6+$0xC810]  }
0x8f: {  	v17 =	vld [tilespmem:s6+$0xC820]  }
0x90: {  	v18 =	vld [tilespmem:s6+$0x100]  }
0x91: {  	v19 =	vld [tilespmem:s6+$0x90]  }
0x92: {  	v20 =	vld [tilespmem:s6+$0xA0]  }
0x93: {  	v21 =	vld [tilespmem:s6+$0x80]  }
0x94: {  	v14 =	vadd.s32 v1, v14;
	v22 =	vld [tilespmem:s6+$0x30]  }
0x95: {  	v23 =	vld [tilespmem:s6+$0x10]  }
0x96: {  	v24 =	vld [tilespmem:s6+$0x20]  }
0x97: {  	v25 =	vld [tilespmem:s6+$0x0]  }
0x98: {  	v11 =	vadd.s32 v1, v11;
	v26 =	vld [tilespmem:s6+$0xC930]  }
0x99: {  	v13 =	vadd.s32 v1, v13;
	v27 =	vld [tilespmem:s6+$0x180];
	v22 =	vadd.s32 v1, v22  }
0x9a: {  	v12 =	vadd.s32 v1, v12;
	v28 =	vld [tilespmem:s6+$0x190]  }
0x9b: {  	v23 =	vadd.s32 v1, v23;
	v29 =	vld [tilespmem:s6+$0x1A0]  }
0x9c: {  	v10 =	vadd.s32 v1, v10;
	v30 =	vld [tilespmem:s6+$0xC910];
	v25 =	vadd.s32 v1, v25  }
0x9d: {  	v24 =	vadd.s32 v1, v24;
	v31 =	vld [tilespmem:s6+$0x130]  }
0x9e: {  	v17 =	vadd.s32 v1, v17;
	v32 =	vld [tilespmem:s6+$0xC900]  }
0x9f: {  	v9 =	vadd.s32 v1, v9;
	v15 =	vadd.s32 v1, v15;
	v21 =	vadd.s32 v1, v21;
	v33 =	vld [tilespmem:s6+$0x120]  }
0xa0: {  	v8 =	vadd.s32 v1, v8;
	v16 =	vadd.s32 v1, v16;
	v34 =	vld [tilespmem:s6+$0xC920]  }
0xa1: {  	[tilespmem:v25+s18+$0x0] =	vst.idx.add.f32.msk $0xffff, v2  }
0xa2: {  	[tilespmem:v23+s19+$0x0] =	vst.idx.add.f32.msk $0xffff, v2  }
0xa3: {  	[tilespmem:v24+s20+$0x0] =	vst.idx.add.f32.msk $0xffff, v2  }
0xa4: {  	v19 =	vadd.s32 v1, v19;
	v23 =	vadd.s32 v1, v33;
	[tilespmem:v22+s21+$0x0] =	vst.idx.add.f32.msk $0xffff, v2  }
0xa5: {  	[tilespmem:v15+s22+$0x0] =	vst.idx.add.f32.msk $0xffff, v2  }
0xa6: {  	v15 =	vadd.s32 v1, v20;
	[tilespmem:v16+s23+$0x0] =	vst.idx.add.f32.msk $0xffff, v2  }
0xa7: {  	[tilespmem:v17+s24+$0x0] =	vst.idx.add.f32.msk $0xffff, v2  }
0xa8: {  	[tilespmem:v14+s25+$0x0] =	vst.idx.add.f32.msk $0xffff, v2  }
0xa9: {  	[tilespmem:v21+s18+$0x0] =	vst.idx.add.f32.msk $0xffff, v2  }
0xaa: {  	[tilespmem:v19+s19+$0x0] =	vst.idx.add.f32.msk $0xffff, v2  }
0xab: {  	[tilespmem:v15+s20+$0x0] =	vst.idx.add.f32.msk $0xffff, v2  }
0xac: {  	v14 =	vadd.s32 v1, v18;
	v15 =	vadd.s32 v1, v31;
	[tilespmem:v11+s21+$0x0] =	vst.idx.add.f32.msk $0xffff, v2  }
0xad: {  	v11 =	vadd.s32 v1, v30;
	[tilespmem:v13+s22+$0x0] =	vst.idx.add.f32.msk $0xffff, v2  }
0xae: {  	v13 =	vadd.s32 v1, v32;
	[tilespmem:v12+s23+$0x0] =	vst.idx.add.f32.msk $0xffff, v2  }
0xaf: {  	[tilespmem:v10+s24+$0x0] =	vst.idx.add.f32.msk $0xffff, v2  }
0xb0: {  	[tilespmem:v9+s25+$0x0] =	vst.idx.add.f32.msk $0xffff, v2  }
0xb1: {  	[tilespmem:v14+s18+$0x0] =	vst.idx.add.f32.msk $0xffff, v2  }
0xb2: {  	v9 =	vadd.s32 v1, v34;
	[tilespmem:v8+s19+$0x0] =	vst.idx.add.f32.msk $0xffff, v2  }
0xb3: {  	v8 =	vadd.s32 v1, v26;
	[tilespmem:v23+s20+$0x0] =	vst.idx.add.f32.msk $0xffff, v2  }
0xb4: {  	v10 =	vadd.s32 v1, v27;
	[tilespmem:v15+s21+$0x0] =	vst.idx.add.f32.msk $0xffff, v2  }
0xb5: {  	v12 =	vadd.s32 v1, v28;
	[tilespmem:v13+s22+$0x0] =	vst.idx.add.f32.msk $0xffff, v2  }
0xb6: {  	v13 =	vadd.s32 v1, v29;
	[tilespmem:v11+s23+$0x0] =	vst.idx.add.f32.msk $0xffff, v2  }
0xb7: {  	v7 =	vadd.s32 v1, v7;
	[tilespmem:v9+s24+$0x0] =	vst.idx.add.f32.msk $0xffff, v2  }
0xb8: {  	v6 =	vadd.s32 v1, v6;
	[tilespmem:v8+s25+$0x0] =	vst.idx.add.f32.msk $0xffff, v2  }
0xb9: {  	v5 =	vadd.s32 v1, v5;
	[tilespmem:v10+s18+$0x0] =	vst.idx.add.f32.msk $0xffff, v2  }
0xba: {  	v4 =	vadd.s32 v1, v4;
	[tilespmem:v12+s19+$0x0] =	vst.idx.add.f32.msk $0xffff, v2  }
.Ltmp1:
0xbb: {  	v3 =	vadd.s32 v1, v3;
	[tilespmem:v13+s20+$0x0] =	vst.idx.add.f32.msk $0xffff, v2;
	(pc) =	sbr.rel @p0 .LBB2_4-.Ltmp1, $4  }
0xbc: {  	[tilespmem:v7+s21+$0x0] =	vst.idx.add.f32.msk $0xffff, v2  }
0xbd: {  	[tilespmem:v6+s22+$0x0] =	vst.idx.add.f32.msk $0xffff, v2  }
0xbe: {  	[tilespmem:v5+s23+$0x0] =	vst.idx.add.f32.msk $0xffff, v2  }
0xbf: {  	[tilespmem:v4+s24+$0x0] =	vst.idx.add.f32.msk $0xffff, v2  }
0xc0: {  	_ =	sdelay $0x3  }
0xc1: {  	[tilespmem:v3+s25+$0x0] =	vst.idx.add.f32.msk $0xffff, v2;
	s9 =	simm.s32 $0x0  }
0xc2: {  	[hbm4b:s7+s9] =	stream.linear.scatter [tilespmem:s18], [sflag:$0x3], $0x2000, $0x38;
	[tilespmem:$0x1D000] =	vst v63  }
0xc3: {  	_ =	swait.ge [sflag:s26], $0x2000  }
0xc4: {  	[sflag:s26] =	ssyncset.done $0x0  }
0xc5: {  	s5 =	simm.s32 $0xC940;
	[sflag:s26] =	ssyncadd.s32 $0xFFFFE000  }
0xc6: {  	v3 =	vld [tilespmem:s5+$0xB0]  }
0xc7: {  	v4 =	vld [tilespmem:s5+$0xA0]  }
0xc8: {  	v5 =	vld [tilespmem:s5+$0x90]  }
0xc9: {  	s6 =	simm.s32 $0x140;
	v6 =	vld [tilespmem:s5+$0x80]  }
0xca: {  	v7 =	vld [tilespmem:s6+$0xB0]  }
0xcb: {  	v8 =	vld [tilespmem:s6+$0xA0]  }
0xcc: {  	v9 =	vld [tilespmem:s6+$0x90]  }
0xcd: {  	v10 =	vld [tilespmem:s6+$0x80]  }
0xce: {  	v11 =	vld [tilespmem:s5+$0x30]  }
0xcf: {  	v12 =	vld [tilespmem:s5+$0x20]  }
0xd0: {  	v13 =	vld [tilespmem:s5+$0x10]  }
0xd1: {  	v14 =	vld [tilespmem:s5+$0x0]  }
0xd2: {  	v15 =	vld [tilespmem:s6+$0x30]  }
0xd3: {  	v16 =	vld [tilespmem:s6+$0x20]  }
0xd4: {  	v17 =	vld [tilespmem:s6+$0x10]  }
0xd5: {  	v18 =	vld [tilespmem:s6+$0x0]  }
0xd6: {  	v19 =	vld [tilespmem:s5+$0xFFFFFFB0]  }
0xd7: {  	v20 =	vld [tilespmem:s5+$0xFFFFFFA0]  }
0xd8: {  	v21 =	vld [tilespmem:s5+$0xFFFFFF90]  }
0xd9: {  	v22 =	vld [tilespmem:s5+$0xFFFFFF80]  }
0xda: {  	v23 =	vld [tilespmem:s6+$0xFFFFFFB0]  }
0xdb: {  	v24 =	vld [tilespmem:s6+$0xFFFFFFA0]  }
0xdc: {  	v25 =	vld [tilespmem:s6+$0xFFFFFF90]  }
0xdd: {  	v26 =	vld [tilespmem:s6+$0xFFFFFF80]  }
0xde: {  	v27 =	vld [tilespmem:s5+$0xFFFFFF30]  }
0xdf: {  	v28 =	vld [tilespmem:s5+$0xFFFFFF20]  }
0xe0: {  	v29 =	vld [tilespmem:s5+$0xFFFFFF10]  }
0xe1: {  	v30 =	vld [tilespmem:s6+$0xFFFFFF00]  }
0xe2: {  	v31 =	vld [tilespmem:s6+$0xFFFFFF10]  }
0xe3: {  	v32 =	vld [tilespmem:s6+$0xFFFFFF20]  }
0xe4: {  	s8 =	simm.s32 $0x19050;
	v33 =	vld [tilespmem:s6+$0xFFFFFF30]  }
0xe5: {  	v34 =	vld [tilespmem:s5+$0xFFFFFF00];
	[tilespmem:s8+$0x20] =	vst v0  }
0xe6: {  	[tilespmem:s8+$0x10] =	vst v0  }
0xe7: {  	[tilespmem:s8+$0x0] =	vst v0  }
0xe8: {  	[tilespmem:s8+$0xFFFFFFF0] =	vst v0  }
0xe9: {  	[tilespmem:s8+$0xFFFFFFE0] =	vst v0  }
0xea: {  	[tilespmem:s8+$0xFFFFFFC0] =	vst v0;
	v30 =	vadd.s32 v1, v30  }
0xeb: {  	[tilespmem:s8+$0xFFFFFFD0] =	vst v0;
	v31 =	vadd.s32 v1, v31  }
0xec: {  	s9 =	sand.u32 $0x3FE0, s9;
	[tilespmem:s8+$0xFFFFFFB0] =	vst v0;
	v32 =	vadd.s32 v1, v32  }
0xed: {  	[tilespmem:s9+$0x19080] =	vst v0;
	v33 =	vadd.s32 v1, v33  }
0xee: {  	[tilespmem:s8+$0x40] =	vst v0;
	v34 =	vadd.s32 v1, v34  }
0xef: {  	v29 =	vadd.s32 v1, v29;
	[tilespmem:v30+s28+$0x0] =	vst.idx.add.f32.msk $0xffff, v2  }
0xf0: {  	v28 =	vadd.s32 v1, v28;
	[tilespmem:v31+s29+$0x0] =	vst.idx.add.f32.msk $0xffff, v2  }
0xf1: {  	v27 =	vadd.s32 v1, v27;
	[tilespmem:v32+s30+$0x0] =	vst.idx.add.f32.msk $0xffff, v2  }
0xf2: {  	v26 =	vadd.s32 v1, v26;
	[tilespmem:v33+s31+$0x0] =	vst.idx.add.f32.msk $0xffff, v2  }
0xf3: {  	v25 =	vadd.s32 v1, v25;
	[tilespmem:v34+s0+$0x0] =	vst.idx.add.f32.msk $0xffff, v2  }
0xf4: {  	v24 =	vadd.s32 v1, v24;
	[tilespmem:v29+s1+$0x0] =	vst.idx.add.f32.msk $0xffff, v2  }
0xf5: {  	v23 =	vadd.s32 v1, v23;
	[tilespmem:v28+s14+$0x0] =	vst.idx.add.f32.msk $0xffff, v2  }
0xf6: {  	v22 =	vadd.s32 v1, v22;
	[tilespmem:v27+s16+$0x0] =	vst.idx.add.f32.msk $0xffff, v2  }
0xf7: {  	v21 =	vadd.s32 v1, v21;
	[tilespmem:v26+s28+$0x0] =	vst.idx.add.f32.msk $0xffff, v2  }
0xf8: {  	v20 =	vadd.s32 v1, v20;
	[tilespmem:v25+s29+$0x0] =	vst.idx.add.f32.msk $0xffff, v2  }
0xf9: {  	v19 =	vadd.s32 v1, v19;
	[tilespmem:v24+s30+$0x0] =	vst.idx.add.f32.msk $0xffff, v2  }
0xfa: {  	v18 =	vadd.s32 v1, v18;
	[tilespmem:v23+s31+$0x0] =	vst.idx.add.f32.msk $0xffff, v2  }
0xfb: {  	v17 =	vadd.s32 v1, v17;
	[tilespmem:v22+s0+$0x0] =	vst.idx.add.f32.msk $0xffff, v2  }
0xfc: {  	v16 =	vadd.s32 v1, v16;
	[tilespmem:v21+s1+$0x0] =	vst.idx.add.f32.msk $0xffff, v2  }
0xfd: {  	v15 =	vadd.s32 v1, v15;
	[tilespmem:v20+s14+$0x0] =	vst.idx.add.f32.msk $0xffff, v2  }
0xfe: {  	v14 =	vadd.s32 v1, v14;
	[tilespmem:v19+s16+$0x0] =	vst.idx.add.f32.msk $0xffff, v2  }
0xff: {  	v13 =	vadd.s32 v1, v13;
	[tilespmem:v18+s28+$0x0] =	vst.idx.add.f32.msk $0xffff, v2  }
0x100: {  	v12 =	vadd.s32 v1, v12;
	[tilespmem:v17+s29+$0x0] =	vst.idx.add.f32.msk $0xffff, v2  }
0x101: {  	v11 =	vadd.s32 v1, v11;
	[tilespmem:v16+s30+$0x0] =	vst.idx.add.f32.msk $0xffff, v2  }
0x102: {  	v10 =	vadd.s32 v1, v10;
	[tilespmem:v15+s31+$0x0] =	vst.idx.add.f32.msk $0xffff, v2  }
0x103: {  	v9 =	vadd.s32 v1, v9;
	[tilespmem:v14+s0+$0x0] =	vst.idx.add.f32.msk $0xffff, v2  }
0x104: {  	v8 =	vadd.s32 v1, v8;
	[tilespmem:v13+s1+$0x0] =	vst.idx.add.f32.msk $0xffff, v2  }
0x105: {  	v7 =	vadd.s32 v1, v7;
	[tilespmem:v12+s14+$0x0] =	vst.idx.add.f32.msk $0xffff, v2  }
0x106: {  	v6 =	vadd.s32 v1, v6;
	[tilespmem:v11+s16+$0x0] =	vst.idx.add.f32.msk $0xffff, v2  }
0x107: {  	v5 =	vadd.s32 v1, v5;
	[tilespmem:v10+s28+$0x0] =	vst.idx.add.f32.msk $0xffff, v2  }
0x108: {  	s9 =	simm.s32 $0xA0;
	v4 =	vadd.s32 v1, v4;
	v3 =	vadd.s32 v1, v3;
	[tilespmem:v9+s29+$0x0] =	vst.idx.add.f32.msk $0xffff, v2  }
.LBB2_6:
0x109: {  	[tilespmem:v8+s30+$0x0] =	vst.idx.add.f32.msk $0xffff, v2;
	s6 =	sadd.s32 $0x200, s6;
	s5 =	sadd.s32 $0x200, s5;
	s8 =	sadd.s32 $0xA0, s8  }
0x10a: {  	p0 =	sne.s32 s9, $0x1EA0;
	s10 =	smov.u32 s9;
	s9 =	sadd.s32 $0xA0, s9;
	[tilespmem:v7+s31+$0x0] =	vst.idx.add.f32.msk $0xffff, v2  }
0x10b: {  	[tilespmem:v6+s0+$0x0] =	vst.idx.add.f32.msk $0xffff, v2  }
0x10c: {  	[tilespmem:v5+s1+$0x0] =	vst.idx.add.f32.msk $0xffff, v2  }
0x10d: {  	[tilespmem:v4+s14+$0x0] =	vst.idx.add.f32.msk $0xffff, v2  }
0x10e: {  	[tilespmem:v3+s16+$0x0] =	vst.idx.add.f32.msk $0xffff, v2  }
0x10f: {  	v3 =	vld [tilespmem:s5+$0xB0]  }
0x110: {  	v4 =	vld [tilespmem:s5+$0xA0]  }
0x111: {  	v5 =	vld [tilespmem:s5+$0x90]  }
0x112: {  	v6 =	vld [tilespmem:s5+$0x80]  }
0x113: {  	v7 =	vld [tilespmem:s6+$0xB0]  }
0x114: {  	v8 =	vld [tilespmem:s6+$0xA0]  }
0x115: {  	v9 =	vld [tilespmem:s6+$0x90]  }
0x116: {  	v10 =	vld [tilespmem:s6+$0x80]  }
0x117: {  	v11 =	vld [tilespmem:s5+$0x30]  }
0x118: {  	v12 =	vld [tilespmem:s5+$0x20]  }
0x119: {  	v13 =	vld [tilespmem:s5+$0x10]  }
0x11a: {  	v14 =	vld [tilespmem:s5+$0x0]  }
0x11b: {  	v15 =	vld [tilespmem:s6+$0x30]  }
0x11c: {  	v16 =	vld [tilespmem:s6+$0x20]  }
0x11d: {  	v17 =	vld [tilespmem:s6+$0x10]  }
0x11e: {  	v18 =	vld [tilespmem:s6+$0x0]  }
0x11f: {  	v19 =	vld [tilespmem:s5+$0xFFFFFFB0]  }
0x120: {  	v20 =	vld [tilespmem:s5+$0xFFFFFFA0]  }
0x121: {  	v21 =	vld [tilespmem:s5+$0xFFFFFF90]  }
0x122: {  	v22 =	vld [tilespmem:s5+$0xFFFFFF80]  }
0x123: {  	v23 =	vld [tilespmem:s6+$0xFFFFFFB0]  }
0x124: {  	v24 =	vld [tilespmem:s6+$0xFFFFFFA0]  }
0x125: {  	v25 =	vld [tilespmem:s6+$0xFFFFFF90]  }
0x126: {  	v26 =	vld [tilespmem:s6+$0xFFFFFF80]  }
0x127: {  	v27 =	vld [tilespmem:s5+$0xFFFFFF30]  }
0x128: {  	v28 =	vld [tilespmem:s5+$0xFFFFFF20]  }
0x129: {  	v29 =	vld [tilespmem:s5+$0xFFFFFF10]  }
0x12a: {  	v30 =	vld [tilespmem:s6+$0xFFFFFF00]  }
0x12b: {  	v31 =	vld [tilespmem:s6+$0xFFFFFF10]  }
0x12c: {  	v32 =	vld [tilespmem:s6+$0xFFFFFF20]  }
0x12d: {  	v33 =	vld [tilespmem:s6+$0xFFFFFF30]  }
0x12e: {  	v34 =	vld [tilespmem:s5+$0xFFFFFF00]  }
0x12f: {  	v30 =	vadd.s32 v1, v30;
	[tilespmem:s8+$0x20] =	vst v0  }
0x130: {  	v31 =	vadd.s32 v1, v31;
	[tilespmem:s8+$0x10] =	vst v0  }
0x131: {  	v32 =	vadd.s32 v1, v32;
	[tilespmem:s8+$0x0] =	vst v0  }
0x132: {  	v33 =	vadd.s32 v1, v33;
	[tilespmem:s8+$0xFFFFFFF0] =	vst v0  }
0x133: {  	v34 =	vadd.s32 v1, v34;
	[tilespmem:s8+$0xFFFFFFE0] =	vst v0  }
0x134: {  	[tilespmem:s8+$0xFFFFFFC0] =	vst v0  }
0x135: {  	s10 =	sand.u32 $0x3FE0, s10;
	[tilespmem:s8+$0xFFFFFFD0] =	vst v0  }
0x136: {  	[tilespmem:s8+$0xFFFFFFB0] =	vst v0  }
0x137: {  	[tilespmem:s10+$0x19080] =	vst v0  }
0x138: {  	v29 =	vadd.s32 v1, v29;
	[tilespmem:s8+$0x40] =	vst v0  }
0x139: {  	v28 =	vadd.s32 v1, v28;
	[tilespmem:v30+s28+$0x0] =	vst.idx.add.f32.msk $0xffff, v2  }
0x13a: {  	v27 =	vadd.s32 v1, v27;
	[tilespmem:v31+s29+$0x0] =	vst.idx.add.f32.msk $0xffff, v2  }
0x13b: {  	v26 =	vadd.s32 v1, v26;
	[tilespmem:v32+s30+$0x0] =	vst.idx.add.f32.msk $0xffff, v2  }
0x13c: {  	v25 =	vadd.s32 v1, v25;
	[tilespmem:v33+s31+$0x0] =	vst.idx.add.f32.msk $0xffff, v2  }
0x13d: {  	v24 =	vadd.s32 v1, v24;
	[tilespmem:v34+s0+$0x0] =	vst.idx.add.f32.msk $0xffff, v2  }
0x13e: {  	v23 =	vadd.s32 v1, v23;
	[tilespmem:v29+s1+$0x0] =	vst.idx.add.f32.msk $0xffff, v2  }
0x13f: {  	v22 =	vadd.s32 v1, v22;
	[tilespmem:v28+s14+$0x0] =	vst.idx.add.f32.msk $0xffff, v2  }
0x140: {  	v21 =	vadd.s32 v1, v21;
	[tilespmem:v27+s16+$0x0] =	vst.idx.add.f32.msk $0xffff, v2  }
0x141: {  	v20 =	vadd.s32 v1, v20;
	[tilespmem:v26+s28+$0x0] =	vst.idx.add.f32.msk $0xffff, v2  }
0x142: {  	v19 =	vadd.s32 v1, v19;
	[tilespmem:v25+s29+$0x0] =	vst.idx.add.f32.msk $0xffff, v2  }
0x143: {  	v18 =	vadd.s32 v1, v18;
	[tilespmem:v24+s30+$0x0] =	vst.idx.add.f32.msk $0xffff, v2  }
0x144: {  	v17 =	vadd.s32 v1, v17;
	[tilespmem:v23+s31+$0x0] =	vst.idx.add.f32.msk $0xffff, v2  }
0x145: {  	v16 =	vadd.s32 v1, v16;
	[tilespmem:v22+s0+$0x0] =	vst.idx.add.f32.msk $0xffff, v2  }
0x146: {  	v15 =	vadd.s32 v1, v15;
	[tilespmem:v21+s1+$0x0] =	vst.idx.add.f32.msk $0xffff, v2  }
0x147: {  	v14 =	vadd.s32 v1, v14;
	[tilespmem:v20+s14+$0x0] =	vst.idx.add.f32.msk $0xffff, v2  }
0x148: {  	v13 =	vadd.s32 v1, v13;
	[tilespmem:v19+s16+$0x0] =	vst.idx.add.f32.msk $0xffff, v2  }
0x149: {  	v12 =	vadd.s32 v1, v12;
	[tilespmem:v18+s28+$0x0] =	vst.idx.add.f32.msk $0xffff, v2  }
0x14a: {  	v11 =	vadd.s32 v1, v11;
	[tilespmem:v17+s29+$0x0] =	vst.idx.add.f32.msk $0xffff, v2  }
0x14b: {  	v10 =	vadd.s32 v1, v10;
	[tilespmem:v16+s30+$0x0] =	vst.idx.add.f32.msk $0xffff, v2  }
0x14c: {  	v9 =	vadd.s32 v1, v9;
	[tilespmem:v15+s31+$0x0] =	vst.idx.add.f32.msk $0xffff, v2  }
0x14d: {  	v8 =	vadd.s32 v1, v8;
	[tilespmem:v14+s0+$0x0] =	vst.idx.add.f32.msk $0xffff, v2  }
.Ltmp2:
0x14e: {  	v7 =	vadd.s32 v1, v7;
	[tilespmem:v13+s1+$0x0] =	vst.idx.add.f32.msk $0xffff, v2;
	(pc) =	sbr.rel @p0 .LBB2_6-.Ltmp2, $4  }
0x14f: {  	v6 =	vadd.s32 v1, v6;
	[tilespmem:v12+s14+$0x0] =	vst.idx.add.f32.msk $0xffff, v2  }
0x150: {  	v5 =	vadd.s32 v1, v5;
	[tilespmem:v11+s16+$0x0] =	vst.idx.add.f32.msk $0xffff, v2  }
0x151: {  	v4 =	vadd.s32 v1, v4;
	[tilespmem:v10+s28+$0x0] =	vst.idx.add.f32.msk $0xffff, v2  }
0x152: {  	v3 =	vadd.s32 v1, v3;
	[tilespmem:v9+s29+$0x0] =	vst.idx.add.f32.msk $0xffff, v2  }
0x153: {  	_ =	sdelay $0x3  }
0x154: {  	[tilespmem:v8+s30+$0x0] =	vst.idx.add.f32.msk $0xffff, v2  }
0x155: {  	[tilespmem:v7+s31+$0x0] =	vst.idx.add.f32.msk $0xffff, v2  }
0x156: {  	[tilespmem:v6+s0+$0x0] =	vst.idx.add.f32.msk $0xffff, v2  }
0x157: {  	[tilespmem:v5+s1+$0x0] =	vst.idx.add.f32.msk $0xffff, v2  }
0x158: {  	[tilespmem:v4+s14+$0x0] =	vst.idx.add.f32.msk $0xffff, v2  }
0x159: {  	[tilespmem:v3+s16+$0x0] =	vst.idx.add.f32.msk $0xffff, v2  }
0x15a: {  	[tilespmem:$0x1AF40] =	vst v0  }
0x15b: {  	[tilespmem:$0x1AF50] =	vst v0  }
0x15c: {  	[tilespmem:$0x1AF60] =	vst v0  }
0x15d: {  	[tilespmem:$0x1AF70] =	vst v0  }
0x15e: {  	[tilespmem:$0x1AF80] =	vst v0  }
0x15f: {  	[tilespmem:$0x1AF90] =	vst v0  }
0x160: {  	[tilespmem:$0x1AFA0] =	vst v0  }
0x161: {  	[tilespmem:$0x1AFB0] =	vst v0  }
0x162: {  	[tilespmem:$0x1AFC0] =	vst v0  }
0x163: {  	[tilespmem:$0x1AFD0] =	vst v0  }
0x164: {  	[tilespmem:$0x1AFE0] =	vst v0  }
0x165: {  	s9 =	simm.s32 $0x0;
	s5 =	rddreg [dreg:$0x6];
	[tilespmem:$0x1AFF0] =	vst v0  }
0x166: {  	[hbm4b:s5+s9] =	stream.linear.scatter [tilespmem:s28], [sflag:$0x4], $0x2000, $0x38;
	[tilespmem:$0x1D000] =	vst v63  }
0x167: {  	_ =	swait.ge [sflag:s17], $0x6400  }
0x168: {  	[sflag:s17] =	ssyncset.done $0x0  }
0x169: {  	[sflag:s17] =	ssyncadd.s32 $0xFFFF9C00  }
0x16a: {  	_ =	swait.ge [sflag:s17], $0x6400  }
0x16b: {  	[sflag:s17] =	ssyncset.done $0x0  }
0x16c: {  	[sflag:s17] =	ssyncadd.s32 $0xFFFF9C00  }
0x16d: {  	_ =	swait.ge [sflag:s2], $0x2000  }
0x16e: {  	[sflag:s2] =	ssyncset.done $0x0  }
0x16f: {  	s5 =	simm.s32 $0x12D00;
	[sflag:s2] =	ssyncadd.s32 $0xFFFFE000  }
0x170: {  	v3 =	vld [tilespmem:s5+$0xB0]  }
0x171: {  	v4 =	vld [tilespmem:s5+$0xA0]  }
0x172: {  	v5 =	vld [tilespmem:s5+$0x90]  }
0x173: {  	s6 =	simm.s32 $0x6500;
	v6 =	vld [tilespmem:s5+$0x80]  }
0x174: {  	v7 =	vld [tilespmem:s6+$0xB0]  }
0x175: {  	v8 =	vld [tilespmem:s6+$0xA0]  }
0x176: {  	v9 =	vld [tilespmem:s6+$0x90]  }
0x177: {  	v10 =	vld [tilespmem:s6+$0x80]  }
0x178: {  	v11 =	vld [tilespmem:s5+$0x30]  }
0x179: {  	v12 =	vld [tilespmem:s5+$0x20]  }
0x17a: {  	v13 =	vld [tilespmem:s5+$0x10]  }
0x17b: {  	v14 =	vld [tilespmem:s5+$0x0]  }
0x17c: {  	v15 =	vld [tilespmem:s6+$0x30]  }
0x17d: {  	v16 =	vld [tilespmem:s6+$0x20]  }
0x17e: {  	v17 =	vld [tilespmem:s6+$0x10]  }
0x17f: {  	v18 =	vld [tilespmem:s6+$0x0]  }
0x180: {  	v19 =	vld [tilespmem:s5+$0xFFFFFFB0]  }
0x181: {  	v20 =	vld [tilespmem:s5+$0xFFFFFFA0]  }
0x182: {  	v21 =	vld [tilespmem:s5+$0xFFFFFF90]  }
0x183: {  	v22 =	vld [tilespmem:s5+$0xFFFFFF80]  }
0x184: {  	v23 =	vld [tilespmem:s6+$0xFFFFFFB0]  }
0x185: {  	v24 =	vld [tilespmem:s6+$0xFFFFFFA0]  }
0x186: {  	v25 =	vld [tilespmem:s6+$0xFFFFFF90]  }
0x187: {  	v26 =	vld [tilespmem:s6+$0xFFFFFF80]  }
0x188: {  	v27 =	vld [tilespmem:s5+$0xFFFFFF30]  }
0x189: {  	v28 =	vld [tilespmem:s5+$0xFFFFFF20]  }
0x18a: {  	v29 =	vld [tilespmem:s5+$0xFFFFFF10]  }
0x18b: {  	v30 =	vld [tilespmem:s6+$0xFFFFFF00]  }
0x18c: {  	v31 =	vld [tilespmem:s6+$0xFFFFFF10]  }
0x18d: {  	v32 =	vld [tilespmem:s6+$0xFFFFFF20]  }
0x18e: {  	s8 =	simm.s32 $0x1B050;
	v33 =	vld [tilespmem:s6+$0xFFFFFF30]  }
0x18f: {  	v34 =	vld [tilespmem:s5+$0xFFFFFF00];
	[tilespmem:s8+$0x20] =	vst v0  }
0x190: {  	[tilespmem:s8+$0x10] =	vst v0  }
0x191: {  	[tilespmem:s8+$0x0] =	vst v0  }
0x192: {  	[tilespmem:s8+$0xFFFFFFF0] =	vst v0  }
0x193: {  	[tilespmem:s8+$0xFFFFFFE0] =	vst v0  }
0x194: {  	[tilespmem:s8+$0xFFFFFFC0] =	vst v0;
	v30 =	vadd.s32 v1, v30  }
0x195: {  	[tilespmem:s8+$0xFFFFFFD0] =	vst v0;
	v31 =	vadd.s32 v1, v31  }
0x196: {  	s9 =	sand.u32 $0x3FE0, s9;
	[tilespmem:s8+$0xFFFFFFB0] =	vst v0;
	v32 =	vadd.s32 v1, v32  }
0x197: {  	[tilespmem:s9+$0x1B080] =	vst v0;
	v33 =	vadd.s32 v1, v33  }
0x198: {  	[tilespmem:s8+$0x40] =	vst v0;
	v34 =	vadd.s32 v1, v34  }
0x199: {  	v29 =	vadd.s32 v1, v29;
	[tilespmem:v30+s18+$0x0] =	vst.idx.add.f32.msk $0xffff, v2  }
0x19a: {  	v28 =	vadd.s32 v1, v28;
	[tilespmem:v31+s19+$0x0] =	vst.idx.add.f32.msk $0xffff, v2  }
0x19b: {  	v27 =	vadd.s32 v1, v27;
	[tilespmem:v32+s20+$0x0] =	vst.idx.add.f32.msk $0xffff, v2  }
0x19c: {  	v26 =	vadd.s32 v1, v26;
	[tilespmem:v33+s21+$0x0] =	vst.idx.add.f32.msk $0xffff, v2  }
0x19d: {  	v25 =	vadd.s32 v1, v25;
	[tilespmem:v34+s22+$0x0] =	vst.idx.add.f32.msk $0xffff, v2  }
0x19e: {  	v24 =	vadd.s32 v1, v24;
	[tilespmem:v29+s23+$0x0] =	vst.idx.add.f32.msk $0xffff, v2  }
0x19f: {  	v23 =	vadd.s32 v1, v23;
	[tilespmem:v28+s24+$0x0] =	vst.idx.add.f32.msk $0xffff, v2  }
0x1a0: {  	v22 =	vadd.s32 v1, v22;
	[tilespmem:v27+s25+$0x0] =	vst.idx.add.f32.msk $0xffff, v2  }
0x1a1: {  	v21 =	vadd.s32 v1, v21;
	[tilespmem:v26+s18+$0x0] =	vst.idx.add.f32.msk $0xffff, v2  }
0x1a2: {  	v20 =	vadd.s32 v1, v20;
	[tilespmem:v25+s19+$0x0] =	vst.idx.add.f32.msk $0xffff, v2  }
0x1a3: {  	v19 =	vadd.s32 v1, v19;
	[tilespmem:v24+s20+$0x0] =	vst.idx.add.f32.msk $0xffff, v2  }
0x1a4: {  	v18 =	vadd.s32 v1, v18;
	[tilespmem:v23+s21+$0x0] =	vst.idx.add.f32.msk $0xffff, v2  }
0x1a5: {  	v17 =	vadd.s32 v1, v17;
	[tilespmem:v22+s22+$0x0] =	vst.idx.add.f32.msk $0xffff, v2  }
0x1a6: {  	v16 =	vadd.s32 v1, v16;
	[tilespmem:v21+s23+$0x0] =	vst.idx.add.f32.msk $0xffff, v2  }
0x1a7: {  	v15 =	vadd.s32 v1, v15;
	[tilespmem:v20+s24+$0x0] =	vst.idx.add.f32.msk $0xffff, v2  }
0x1a8: {  	v14 =	vadd.s32 v1, v14;
	[tilespmem:v19+s25+$0x0] =	vst.idx.add.f32.msk $0xffff, v2  }
0x1a9: {  	v13 =	vadd.s32 v1, v13;
	[tilespmem:v18+s18+$0x0] =	vst.idx.add.f32.msk $0xffff, v2  }
0x1aa: {  	v12 =	vadd.s32 v1, v12;
	[tilespmem:v17+s19+$0x0] =	vst.idx.add.f32.msk $0xffff, v2  }
0x1ab: {  	v11 =	vadd.s32 v1, v11;
	[tilespmem:v16+s20+$0x0] =	vst.idx.add.f32.msk $0xffff, v2  }
0x1ac: {  	v10 =	vadd.s32 v1, v10;
	[tilespmem:v15+s21+$0x0] =	vst.idx.add.f32.msk $0xffff, v2  }
0x1ad: {  	v9 =	vadd.s32 v1, v9;
	[tilespmem:v14+s22+$0x0] =	vst.idx.add.f32.msk $0xffff, v2  }
0x1ae: {  	v8 =	vadd.s32 v1, v8;
	[tilespmem:v13+s23+$0x0] =	vst.idx.add.f32.msk $0xffff, v2  }
0x1af: {  	v7 =	vadd.s32 v1, v7;
	[tilespmem:v12+s24+$0x0] =	vst.idx.add.f32.msk $0xffff, v2  }
0x1b0: {  	v6 =	vadd.s32 v1, v6;
	[tilespmem:v11+s25+$0x0] =	vst.idx.add.f32.msk $0xffff, v2  }
0x1b1: {  	v5 =	vadd.s32 v1, v5;
	[tilespmem:v10+s18+$0x0] =	vst.idx.add.f32.msk $0xffff, v2  }
0x1b2: {  	s9 =	simm.s32 $0xA0;
	v4 =	vadd.s32 v1, v4;
	v3 =	vadd.s32 v1, v3;
	[tilespmem:v9+s19+$0x0] =	vst.idx.add.f32.msk $0xffff, v2  }
.LBB2_8:
0x1b3: {  	[tilespmem:v8+s20+$0x0] =	vst.idx.add.f32.msk $0xffff, v2;
	s6 =	sadd.s32 $0x200, s6;
	s5 =	sadd.s32 $0x200, s5;
	s8 =	sadd.s32 $0xA0, s8  }
0x1b4: {  	p0 =	sne.s32 s9, $0x1EA0;
	s10 =	smov.u32 s9;
	s9 =	sadd.s32 $0xA0, s9;
	[tilespmem:v7+s21+$0x0] =	vst.idx.add.f32.msk $0xffff, v2  }
0x1b5: {  	[tilespmem:v6+s22+$0x0] =	vst.idx.add.f32.msk $0xffff, v2  }
0x1b6: {  	[tilespmem:v5+s23+$0x0] =	vst.idx.add.f32.msk $0xffff, v2  }
0x1b7: {  	[tilespmem:v4+s24+$0x0] =	vst.idx.add.f32.msk $0xffff, v2  }
0x1b8: {  	[tilespmem:v3+s25+$0x0] =	vst.idx.add.f32.msk $0xffff, v2  }
0x1b9: {  	v3 =	vld [tilespmem:s5+$0xB0]  }
0x1ba: {  	v4 =	vld [tilespmem:s5+$0xA0]  }
0x1bb: {  	v5 =	vld [tilespmem:s5+$0x90]  }
0x1bc: {  	v6 =	vld [tilespmem:s5+$0x80]  }
0x1bd: {  	v7 =	vld [tilespmem:s6+$0xB0]  }
0x1be: {  	v8 =	vld [tilespmem:s6+$0xA0]  }
0x1bf: {  	v9 =	vld [tilespmem:s6+$0x90]  }
0x1c0: {  	v10 =	vld [tilespmem:s6+$0x80]  }
0x1c1: {  	v11 =	vld [tilespmem:s5+$0x30]  }
0x1c2: {  	v12 =	vld [tilespmem:s5+$0x20]  }
0x1c3: {  	v13 =	vld [tilespmem:s5+$0x10]  }
0x1c4: {  	v14 =	vld [tilespmem:s5+$0x0]  }
0x1c5: {  	v15 =	vld [tilespmem:s6+$0x30]  }
0x1c6: {  	v16 =	vld [tilespmem:s6+$0x20]  }
0x1c7: {  	v17 =	vld [tilespmem:s6+$0x10]  }
0x1c8: {  	v18 =	vld [tilespmem:s6+$0x0]  }
0x1c9: {  	v19 =	vld [tilespmem:s5+$0xFFFFFFB0]  }
0x1ca: {  	v20 =	vld [tilespmem:s5+$0xFFFFFFA0]  }
0x1cb: {  	v21 =	vld [tilespmem:s5+$0xFFFFFF90]  }
0x1cc: {  	v22 =	vld [tilespmem:s5+$0xFFFFFF80]  }
0x1cd: {  	v23 =	vld [tilespmem:s6+$0xFFFFFFB0]  }
0x1ce: {  	v24 =	vld [tilespmem:s6+$0xFFFFFFA0]  }
0x1cf: {  	v25 =	vld [tilespmem:s6+$0xFFFFFF90]  }
0x1d0: {  	v26 =	vld [tilespmem:s6+$0xFFFFFF80]  }
0x1d1: {  	v27 =	vld [tilespmem:s5+$0xFFFFFF30]  }
0x1d2: {  	v28 =	vld [tilespmem:s5+$0xFFFFFF20]  }
0x1d3: {  	v29 =	vld [tilespmem:s5+$0xFFFFFF10]  }
0x1d4: {  	v30 =	vld [tilespmem:s6+$0xFFFFFF00]  }
0x1d5: {  	v31 =	vld [tilespmem:s6+$0xFFFFFF10]  }
0x1d6: {  	v32 =	vld [tilespmem:s6+$0xFFFFFF20]  }
0x1d7: {  	v33 =	vld [tilespmem:s6+$0xFFFFFF30]  }
0x1d8: {  	v34 =	vld [tilespmem:s5+$0xFFFFFF00]  }
0x1d9: {  	v30 =	vadd.s32 v1, v30;
	[tilespmem:s8+$0x20] =	vst v0  }
0x1da: {  	v31 =	vadd.s32 v1, v31;
	[tilespmem:s8+$0x10] =	vst v0  }
0x1db: {  	v32 =	vadd.s32 v1, v32;
	[tilespmem:s8+$0x0] =	vst v0  }
0x1dc: {  	v33 =	vadd.s32 v1, v33;
	[tilespmem:s8+$0xFFFFFFF0] =	vst v0  }
0x1dd: {  	v34 =	vadd.s32 v1, v34;
	[tilespmem:s8+$0xFFFFFFE0] =	vst v0  }
0x1de: {  	[tilespmem:s8+$0xFFFFFFC0] =	vst v0  }
0x1df: {  	s10 =	sand.u32 $0x3FE0, s10;
	[tilespmem:s8+$0xFFFFFFD0] =	vst v0  }
0x1e0: {  	[tilespmem:s8+$0xFFFFFFB0] =	vst v0  }
0x1e1: {  	[tilespmem:s10+$0x1B080] =	vst v0  }
0x1e2: {  	v29 =	vadd.s32 v1, v29;
	[tilespmem:s8+$0x40] =	vst v0  }
0x1e3: {  	v28 =	vadd.s32 v1, v28;
	[tilespmem:v30+s18+$0x0] =	vst.idx.add.f32.msk $0xffff, v2  }
0x1e4: {  	v27 =	vadd.s32 v1, v27;
	[tilespmem:v31+s19+$0x0] =	vst.idx.add.f32.msk $0xffff, v2  }
0x1e5: {  	v26 =	vadd.s32 v1, v26;
	[tilespmem:v32+s20+$0x0] =	vst.idx.add.f32.msk $0xffff, v2  }
0x1e6: {  	v25 =	vadd.s32 v1, v25;
	[tilespmem:v33+s21+$0x0] =	vst.idx.add.f32.msk $0xffff, v2  }
0x1e7: {  	v24 =	vadd.s32 v1, v24;
	[tilespmem:v34+s22+$0x0] =	vst.idx.add.f32.msk $0xffff, v2  }
0x1e8: {  	v23 =	vadd.s32 v1, v23;
	[tilespmem:v29+s23+$0x0] =	vst.idx.add.f32.msk $0xffff, v2  }
0x1e9: {  	v22 =	vadd.s32 v1, v22;
	[tilespmem:v28+s24+$0x0] =	vst.idx.add.f32.msk $0xffff, v2  }
0x1ea: {  	v21 =	vadd.s32 v1, v21;
	[tilespmem:v27+s25+$0x0] =	vst.idx.add.f32.msk $0xffff, v2  }
0x1eb: {  	v20 =	vadd.s32 v1, v20;
	[tilespmem:v26+s18+$0x0] =	vst.idx.add.f32.msk $0xffff, v2  }
0x1ec: {  	v19 =	vadd.s32 v1, v19;
	[tilespmem:v25+s19+$0x0] =	vst.idx.add.f32.msk $0xffff, v2  }
0x1ed: {  	v18 =	vadd.s32 v1, v18;
	[tilespmem:v24+s20+$0x0] =	vst.idx.add.f32.msk $0xffff, v2  }
0x1ee: {  	v17 =	vadd.s32 v1, v17;
	[tilespmem:v23+s21+$0x0] =	vst.idx.add.f32.msk $0xffff, v2  }
0x1ef: {  	v16 =	vadd.s32 v1, v16;
	[tilespmem:v22+s22+$0x0] =	vst.idx.add.f32.msk $0xffff, v2  }
0x1f0: {  	v15 =	vadd.s32 v1, v15;
	[tilespmem:v21+s23+$0x0] =	vst.idx.add.f32.msk $0xffff, v2  }
0x1f1: {  	v14 =	vadd.s32 v1, v14;
	[tilespmem:v20+s24+$0x0] =	vst.idx.add.f32.msk $0xffff, v2  }
0x1f2: {  	v13 =	vadd.s32 v1, v13;
	[tilespmem:v19+s25+$0x0] =	vst.idx.add.f32.msk $0xffff, v2  }
0x1f3: {  	v12 =	vadd.s32 v1, v12;
	[tilespmem:v18+s18+$0x0] =	vst.idx.add.f32.msk $0xffff, v2  }
0x1f4: {  	v11 =	vadd.s32 v1, v11;
	[tilespmem:v17+s19+$0x0] =	vst.idx.add.f32.msk $0xffff, v2  }
0x1f5: {  	v10 =	vadd.s32 v1, v10;
	[tilespmem:v16+s20+$0x0] =	vst.idx.add.f32.msk $0xffff, v2  }
0x1f6: {  	v9 =	vadd.s32 v1, v9;
	[tilespmem:v15+s21+$0x0] =	vst.idx.add.f32.msk $0xffff, v2  }
0x1f7: {  	v8 =	vadd.s32 v1, v8;
	[tilespmem:v14+s22+$0x0] =	vst.idx.add.f32.msk $0xffff, v2  }
.Ltmp3:
0x1f8: {  	v7 =	vadd.s32 v1, v7;
	[tilespmem:v13+s23+$0x0] =	vst.idx.add.f32.msk $0xffff, v2;
	(pc) =	sbr.rel @p0 .LBB2_8-.Ltmp3, $4  }
0x1f9: {  	v6 =	vadd.s32 v1, v6;
	[tilespmem:v12+s24+$0x0] =	vst.idx.add.f32.msk $0xffff, v2  }
0x1fa: {  	v5 =	vadd.s32 v1, v5;
	[tilespmem:v11+s25+$0x0] =	vst.idx.add.f32.msk $0xffff, v2  }
0x1fb: {  	v4 =	vadd.s32 v1, v4;
	[tilespmem:v10+s18+$0x0] =	vst.idx.add.f32.msk $0xffff, v2  }
0x1fc: {  	v3 =	vadd.s32 v1, v3;
	[tilespmem:v9+s19+$0x0] =	vst.idx.add.f32.msk $0xffff, v2  }
0x1fd: {  	_ =	sdelay $0x3  }
0x1fe: {  	[tilespmem:v8+s20+$0x0] =	vst.idx.add.f32.msk $0xffff, v2  }
0x1ff: {  	[tilespmem:v7+s21+$0x0] =	vst.idx.add.f32.msk $0xffff, v2  }
0x200: {  	[tilespmem:v6+s22+$0x0] =	vst.idx.add.f32.msk $0xffff, v2  }
0x201: {  	[tilespmem:v5+s23+$0x0] =	vst.idx.add.f32.msk $0xffff, v2  }
0x202: {  	[tilespmem:v4+s24+$0x0] =	vst.idx.add.f32.msk $0xffff, v2  }
0x203: {  	[tilespmem:v3+s25+$0x0] =	vst.idx.add.f32.msk $0xffff, v2  }
0x204: {  	[tilespmem:$0x1CF40] =	vst v0  }
0x205: {  	[tilespmem:$0x1CF50] =	vst v0  }
0x206: {  	[tilespmem:$0x1CF60] =	vst v0  }
0x207: {  	[tilespmem:$0x1CF70] =	vst v0  }
0x208: {  	[tilespmem:$0x1CF80] =	vst v0  }
0x209: {  	[tilespmem:$0x1CF90] =	vst v0  }
0x20a: {  	[tilespmem:$0x1CFA0] =	vst v0  }
0x20b: {  	[tilespmem:$0x1CFB0] =	vst v0  }
0x20c: {  	[tilespmem:$0x1CFC0] =	vst v0  }
0x20d: {  	[tilespmem:$0x1CFD0] =	vst v0  }
0x20e: {  	[tilespmem:$0x1CFE0] =	vst v0  }
0x20f: {  	s5 =	simm.s32 $0x0;
	s6 =	rddreg [dreg:$0x7];
	s10 =	simm.s32 $0x0;
	[tilespmem:$0x1CFF0] =	vst v0  }
0x210: {  	[hbm4b:s6+s5] =	stream.linear.scatter [tilespmem:s18], [sflag:$0x3], $0x2000, $0x38;
	[tilespmem:$0x1D000] =	vst v63  }
0x211: {  	v3 =	vld [tilespmem:s10+$0x12DF0]  }
0x212: {  	v4 =	vld [tilespmem:s10+$0x12DE0]  }
0x213: {  	v5 =	vld [tilespmem:s10+$0x12DD0]  }
0x214: {  	v6 =	vld [tilespmem:s10+$0x12DC0]  }
0x215: {  	v7 =	vld [tilespmem:s10+$0x65F0]  }
0x216: {  	v8 =	vld [tilespmem:s10+$0x6550]  }
0x217: {  	v9 =	vld [tilespmem:s10+$0x12CF0]  }
0x218: {  	v10 =	vld [tilespmem:s10+$0x12CE0]  }
0x219: {  	v11 =	vld [tilespmem:s10+$0x64F0]  }
0x21a: {  	v12 =	vld [tilespmem:s10+$0x12CD0]  }
0x21b: {  	v13 =	vld [tilespmem:s10+$0x12CC0]  }
0x21c: {  	v14 =	vld [tilespmem:s10+$0x12C70]  }
0x21d: {  	v15 =	vld [tilespmem:s10+$0x12C40]  }
0x21e: {  	v16 =	vld [tilespmem:s10+$0x12C50]  }
0x21f: {  	v17 =	vld [tilespmem:s10+$0x12C60]  }
0x220: {  	v18 =	vld [tilespmem:s10+$0x6540]  }
0x221: {  	v19 =	vld [tilespmem:s10+$0x64D0]  }
0x222: {  	v20 =	vld [tilespmem:s10+$0x64E0]  }
0x223: {  	v21 =	vld [tilespmem:s10+$0x64C0]  }
0x224: {  	v22 =	vld [tilespmem:s10+$0x6470]  }
0x225: {  	v23 =	vld [tilespmem:s10+$0x6450]  }
0x226: {  	v24 =	vld [tilespmem:s10+$0x6460]  }
0x227: {  	v25 =	vld [tilespmem:s10+$0x6440]  }
0x228: {  	v26 =	vld [tilespmem:s10+$0x12D70]  }
0x229: {  	v27 =	vld [tilespmem:s10+$0x65C0]  }
0x22a: {  	v28 =	vld [tilespmem:s10+$0x65D0]  }
0x22b: {  	v29 =	vld [tilespmem:s10+$0x65E0]  }
0x22c: {  	v30 =	vld [tilespmem:s10+$0x12D50];
	v25 =	vadd.s32 v1, v25  }
0x22d: {  	v31 =	vld [tilespmem:s10+$0x6570];
	v23 =	vadd.s32 v1, v23  }
0x22e: {  	v32 =	vld [tilespmem:s10+$0x12D40];
	v24 =	vadd.s32 v1, v24  }
0x22f: {  	v33 =	vld [tilespmem:s10+$0x6560];
	v22 =	vadd.s32 v1, v22  }
0x230: {  	v34 =	vld [tilespmem:s10+$0x12D60];
	v15 =	vadd.s32 v1, v15  }
0x231: {  	v16 =	vadd.s32 v1, v16;
	[tilespmem:v25+s28+$0x0] =	vst.idx.add.f32.msk $0xffff, v2  }
0x232: {  	v17 =	vadd.s32 v1, v17;
	[tilespmem:v23+s29+$0x0] =	vst.idx.add.f32.msk $0xffff, v2  }
0x233: {  	v14 =	vadd.s32 v1, v14;
	[tilespmem:v24+s30+$0x0] =	vst.idx.add.f32.msk $0xffff, v2  }
0x234: {  	v21 =	vadd.s32 v1, v21;
	[tilespmem:v22+s31+$0x0] =	vst.idx.add.f32.msk $0xffff, v2  }
0x235: {  	v19 =	vadd.s32 v1, v19;
	[tilespmem:v15+s0+$0x0] =	vst.idx.add.f32.msk $0xffff, v2  }
0x236: {  	v53 =	vadd.s32 v1, v20;
	[tilespmem:v16+s1+$0x0] =	vst.idx.add.f32.msk $0xffff, v2  }
0x237: {  	v11 =	vadd.s32 v1, v11;
	[tilespmem:v17+s14+$0x0] =	vst.idx.add.f32.msk $0xffff, v2  }
0x238: {  	v13 =	vadd.s32 v1, v13;
	[tilespmem:v14+s16+$0x0] =	vst.idx.add.f32.msk $0xffff, v2  }
0x239: {  	v12 =	vadd.s32 v1, v12;
	[tilespmem:v21+s28+$0x0] =	vst.idx.add.f32.msk $0xffff, v2  }
0x23a: {  	v10 =	vadd.s32 v1, v10;
	[tilespmem:v19+s29+$0x0] =	vst.idx.add.f32.msk $0xffff, v2  }
0x23b: {  	v9 =	vadd.s32 v1, v9;
	[tilespmem:v53+s30+$0x0] =	vst.idx.add.f32.msk $0xffff, v2  }
0x23c: {  	v54 =	vadd.s32 v1, v18;
	[tilespmem:v11+s31+$0x0] =	vst.idx.add.f32.msk $0xffff, v2  }
0x23d: {  	v8 =	vadd.s32 v1, v8;
	[tilespmem:v13+s0+$0x0] =	vst.idx.add.f32.msk $0xffff, v2  }
0x23e: {  	v55 =	vadd.s32 v1, v33;
	[tilespmem:v12+s1+$0x0] =	vst.idx.add.f32.msk $0xffff, v2  }
0x23f: {  	v56 =	vadd.s32 v1, v31;
	[tilespmem:v10+s14+$0x0] =	vst.idx.add.f32.msk $0xffff, v2  }
0x240: {  	v57 =	vadd.s32 v1, v32;
	[tilespmem:v9+s16+$0x0] =	vst.idx.add.f32.msk $0xffff, v2  }
0x241: {  	v58 =	vadd.s32 v1, v30;
	[tilespmem:v54+s28+$0x0] =	vst.idx.add.f32.msk $0xffff, v2  }
0x242: {  	v59 =	vadd.s32 v1, v34;
	[tilespmem:v8+s29+$0x0] =	vst.idx.add.f32.msk $0xffff, v2  }
0x243: {  	v60 =	vadd.s32 v1, v26;
	[tilespmem:v55+s30+$0x0] =	vst.idx.add.f32.msk $0xffff, v2  }
0x244: {  	v61 =	vadd.s32 v1, v27;
	[tilespmem:v56+s31+$0x0] =	vst.idx.add.f32.msk $0xffff, v2  }
0x245: {  	v62 =	vadd.s32 v1, v28;
	[tilespmem:v57+s0+$0x0] =	vst.idx.add.f32.msk $0xffff, v2  }
0x246: {  	v63 =	vadd.s32 v1, v29;
	[tilespmem:v58+s1+$0x0] =	vst.idx.add.f32.msk $0xffff, v2  }
0x247: {  	v7 =	vadd.s32 v1, v7;
	[tilespmem:v59+s14+$0x0] =	vst.idx.add.f32.msk $0xffff, v2  }
0x248: {  	v6 =	vadd.s32 v1, v6;
	[tilespmem:v60+s16+$0x0] =	vst.idx.add.f32.msk $0xffff, v2  }
0x249: {  	v5 =	vadd.s32 v1, v5;
	[tilespmem:v61+s28+$0x0] =	vst.idx.add.f32.msk $0xffff, v2  }
0x24a: {  	v4 =	vadd.s32 v1, v4;
	[tilespmem:v62+s29+$0x0] =	vst.idx.add.f32.msk $0xffff, v2  }
0x24b: {  	v3 =	vadd.s32 v1, v3;
	[tilespmem:v63+s30+$0x0] =	vst.idx.add.f32.msk $0xffff, v2  }
0x24c: {  	[tilespmem:v7+s31+$0x0] =	vst.idx.add.f32.msk $0xffff, v2  }
0x24d: {  	[tilespmem:v6+s0+$0x0] =	vst.idx.add.f32.msk $0xffff, v2  }
0x24e: {  	[tilespmem:v5+s1+$0x0] =	vst.idx.add.f32.msk $0xffff, v2  }
0x24f: {  	s5 =	simm.s32 $0x800;
	[tilespmem:v4+s14+$0x0] =	vst.idx.add.f32.msk $0xffff, v2  }
.LBB2_10:
0x250: {  	s6 =	sshra.s32 s5, $0x2;
	p0 =	sne.s32 s5, $0x18800;
	s5 =	sadd.s32 $0x800, s5;
	[tilespmem:v3+s16+$0x0] =	vst.idx.add.f32.msk $0xffff, v2  }
0x251: {  	v3 =	vld [tilespmem:s6+$0x12DF0]  }
0x252: {  	v4 =	vld [tilespmem:s6+$0x12DE0]  }
0x253: {  	v5 =	vld [tilespmem:s6+$0x12DD0]  }
0x254: {  	v6 =	vld [tilespmem:s6+$0x12DC0]  }
0x255: {  	v7 =	vld [tilespmem:s6+$0x65F0]  }
0x256: {  	v8 =	vld [tilespmem:s6+$0x6550]  }
0x257: {  	v9 =	vld [tilespmem:s6+$0x12CF0]  }
0x258: {  	v10 =	vld [tilespmem:s6+$0x12CE0]  }
0x259: {  	v11 =	vld [tilespmem:s6+$0x64F0]  }
0x25a: {  	v12 =	vld [tilespmem:s6+$0x12CD0]  }
0x25b: {  	v13 =	vld [tilespmem:s6+$0x12CC0]  }
0x25c: {  	v14 =	vld [tilespmem:s6+$0x12C70]  }
0x25d: {  	v15 =	vld [tilespmem:s6+$0x12C40]  }
0x25e: {  	v16 =	vld [tilespmem:s6+$0x12C50]  }
0x25f: {  	v17 =	vld [tilespmem:s6+$0x12C60]  }
0x260: {  	v18 =	vld [tilespmem:s6+$0x6540]  }
0x261: {  	v19 =	vld [tilespmem:s6+$0x64D0]  }
0x262: {  	v20 =	vld [tilespmem:s6+$0x64E0]  }
0x263: {  	v21 =	vld [tilespmem:s6+$0x64C0]  }
0x264: {  	v14 =	vadd.s32 v1, v14;
	v22 =	vld [tilespmem:s6+$0x6470]  }
0x265: {  	v23 =	vld [tilespmem:s6+$0x6450]  }
0x266: {  	v24 =	vld [tilespmem:s6+$0x6460]  }
0x267: {  	v25 =	vld [tilespmem:s6+$0x6440]  }
0x268: {  	v11 =	vadd.s32 v1, v11;
	v26 =	vld [tilespmem:s6+$0x12D70]  }
0x269: {  	v13 =	vadd.s32 v1, v13;
	v27 =	vld [tilespmem:s6+$0x65C0];
	v22 =	vadd.s32 v1, v22  }
0x26a: {  	v12 =	vadd.s32 v1, v12;
	v28 =	vld [tilespmem:s6+$0x65D0]  }
0x26b: {  	v23 =	vadd.s32 v1, v23;
	v29 =	vld [tilespmem:s6+$0x65E0]  }
0x26c: {  	v10 =	vadd.s32 v1, v10;
	v30 =	vld [tilespmem:s6+$0x12D50];
	v25 =	vadd.s32 v1, v25  }
0x26d: {  	v24 =	vadd.s32 v1, v24;
	v31 =	vld [tilespmem:s6+$0x6570]  }
0x26e: {  	v17 =	vadd.s32 v1, v17;
	v32 =	vld [tilespmem:s6+$0x12D40]  }
0x26f: {  	v9 =	vadd.s32 v1, v9;
	v15 =	vadd.s32 v1, v15;
	v21 =	vadd.s32 v1, v21;
	v33 =	vld [tilespmem:s6+$0x6560]  }
0x270: {  	v8 =	vadd.s32 v1, v8;
	v16 =	vadd.s32 v1, v16;
	v34 =	vld [tilespmem:s6+$0x12D60]  }
0x271: {  	[tilespmem:v25+s28+$0x0] =	vst.idx.add.f32.msk $0xffff, v2  }
0x272: {  	[tilespmem:v23+s29+$0x0] =	vst.idx.add.f32.msk $0xffff, v2  }
0x273: {  	[tilespmem:v24+s30+$0x0] =	vst.idx.add.f32.msk $0xffff, v2  }
0x274: {  	v19 =	vadd.s32 v1, v19;
	v23 =	vadd.s32 v1, v33;
	[tilespmem:v22+s31+$0x0] =	vst.idx.add.f32.msk $0xffff, v2  }
0x275: {  	[tilespmem:v15+s0+$0x0] =	vst.idx.add.f32.msk $0xffff, v2  }
0x276: {  	v15 =	vadd.s32 v1, v20;
	[tilespmem:v16+s1+$0x0] =	vst.idx.add.f32.msk $0xffff, v2  }
0x277: {  	[tilespmem:v17+s14+$0x0] =	vst.idx.add.f32.msk $0xffff, v2  }
0x278: {  	[tilespmem:v14+s16+$0x0] =	vst.idx.add.f32.msk $0xffff, v2  }
0x279: {  	[tilespmem:v21+s28+$0x0] =	vst.idx.add.f32.msk $0xffff, v2  }
0x27a: {  	[tilespmem:v19+s29+$0x0] =	vst.idx.add.f32.msk $0xffff, v2  }
0x27b: {  	[tilespmem:v15+s30+$0x0] =	vst.idx.add.f32.msk $0xffff, v2  }
0x27c: {  	v14 =	vadd.s32 v1, v18;
	v15 =	vadd.s32 v1, v31;
	[tilespmem:v11+s31+$0x0] =	vst.idx.add.f32.msk $0xffff, v2  }
0x27d: {  	v11 =	vadd.s32 v1, v30;
	[tilespmem:v13+s0+$0x0] =	vst.idx.add.f32.msk $0xffff, v2  }
0x27e: {  	v13 =	vadd.s32 v1, v32;
	[tilespmem:v12+s1+$0x0] =	vst.idx.add.f32.msk $0xffff, v2  }
0x27f: {  	[tilespmem:v10+s14+$0x0] =	vst.idx.add.f32.msk $0xffff, v2  }
0x280: {  	[tilespmem:v9+s16+$0x0] =	vst.idx.add.f32.msk $0xffff, v2  }
0x281: {  	[tilespmem:v14+s28+$0x0] =	vst.idx.add.f32.msk $0xffff, v2  }
0x282: {  	v9 =	vadd.s32 v1, v34;
	[tilespmem:v8+s29+$0x0] =	vst.idx.add.f32.msk $0xffff, v2  }
0x283: {  	v8 =	vadd.s32 v1, v26;
	[tilespmem:v23+s30+$0x0] =	vst.idx.add.f32.msk $0xffff, v2  }
0x284: {  	v10 =	vadd.s32 v1, v27;
	[tilespmem:v15+s31+$0x0] =	vst.idx.add.f32.msk $0xffff, v2  }
0x285: {  	v12 =	vadd.s32 v1, v28;
	[tilespmem:v13+s0+$0x0] =	vst.idx.add.f32.msk $0xffff, v2  }
0x286: {  	v13 =	vadd.s32 v1, v29;
	[tilespmem:v11+s1+$0x0] =	vst.idx.add.f32.msk $0xffff, v2  }
0x287: {  	v7 =	vadd.s32 v1, v7;
	[tilespmem:v9+s14+$0x0] =	vst.idx.add.f32.msk $0xffff, v2  }
0x288: {  	v6 =	vadd.s32 v1, v6;
	[tilespmem:v8+s16+$0x0] =	vst.idx.add.f32.msk $0xffff, v2  }
0x289: {  	v5 =	vadd.s32 v1, v5;
	[tilespmem:v10+s28+$0x0] =	vst.idx.add.f32.msk $0xffff, v2  }
0x28a: {  	v4 =	vadd.s32 v1, v4;
	[tilespmem:v12+s29+$0x0] =	vst.idx.add.f32.msk $0xffff, v2  }
.Ltmp4:
0x28b: {  	v3 =	vadd.s32 v1, v3;
	[tilespmem:v13+s30+$0x0] =	vst.idx.add.f32.msk $0xffff, v2;
	(pc) =	sbr.rel @p0 .LBB2_10-.Ltmp4, $4  }
0x28c: {  	[tilespmem:v7+s31+$0x0] =	vst.idx.add.f32.msk $0xffff, v2  }
0x28d: {  	[tilespmem:v6+s0+$0x0] =	vst.idx.add.f32.msk $0xffff, v2  }
0x28e: {  	[tilespmem:v5+s1+$0x0] =	vst.idx.add.f32.msk $0xffff, v2  }
0x28f: {  	[tilespmem:v4+s14+$0x0] =	vst.idx.add.f32.msk $0xffff, v2  }
0x290: {  	_ =	sdelay $0x3  }
0x291: {  	[tilespmem:v3+s16+$0x0] =	vst.idx.add.f32.msk $0xffff, v2;
	s6 =	simm.s32 $0x0;
	s5 =	rddreg [dreg:$0x8];
	s4 =	sadd.s32 $0x1, s4  }
0x292: {  	[hbm4b:s5+s6] =	stream.linear.scatter [tilespmem:s28], [sflag:$0x4], $0x2000, $0x38;
	[tilespmem:$0x1D000] =	vst v63  }
0x293: {  	p0 =	sne.s32 s4, s11;
	_ =	swait.ge [sflag:s26], $0x2000  }
.Ltmp5:
0x294: {  	[sflag:s26] =	ssyncset.done $0x0;
	(pc) =	sbr.rel @p0 .LBB2_1-.Ltmp5, $4  }
0x295: {  	[sflag:s26] =	ssyncadd.s32 $0xFFFFE000  }
0x296: {  	_ =	swait.ge [sflag:s2], $0x2000  }
0x297: {  	[sflag:s2] =	ssyncset.done $0x0  }
0x298: {  	[sflag:s2] =	ssyncadd.s32 $0xFFFFE000  }
0x299: {  	_ =	sfence.sel $0x180000  }
0x29a: {  	[bflag:$0x0] =	sbarrier.arrive $0xFFFF  }
0x29b: {  	_ =	strace $0x90000047  }
0x29c: {  	s0 =	stileid.u32;
	[bflag:$0x2] =	sbarrier.arrive $0xFFFF  }
0x29d: {  	p0 =	sne.s32 s0, $0x0;
	s0 =	rddreg [dreg:$0x2]  }
0x29e: {  	s0 =	sadd.s32 @!p0 $0x100000, s0  }
0x29f: {  	[sflag:s0] =	ssyncadd.tile.s32 @!p0 $0x1;
	_ =	shalt  }
.Lfunc_end2:
_tile_overlayer_lowered:
.L_overlay_start_2:
0x2a0: {  	(tag) =	ssettag $0x2  }
0x2a1: {  	s0 =	rddreg [dreg:$0x0];
	s2 =	stileid.u32  }
0x2a2: {  	s1 =	rddreg [dreg:$0x1];
	p0 =	sne.s32 s2, $0x0  }
0x2a3: {  	s3 =	rddreg [dreg:$0x2];
	[bflag:$0x3] =	sbarrier.arrive $0xFFFF;
	s2 =	simm.s32 @!p0 $0x1C05  }
0x2a4: {  	[timem:s3], [sflag:s2] =	dma.local @!p0 [hbm:s0], s1  }
0x2a5: {  	s0 =	simm.s32 @!p0 $0x5  }
0x2a6: {  	_ =	swait.ge @!p0 [sflag:s0], s1  }
0x2a7: {  	s1 =	ssub.s32 @!p0 $0x0, s1;
	[sflag:s0] =	ssyncset.done @!p0 $0x0  }
0x2a8: {  	[sflag:s0] =	ssyncadd.s32 @!p0 s1  }
0x2a9: {  	[bflag:$0x3] =	sbarrier.arrive $0xFFFF  }
0x2aa: {  	_ =	shalt  }

</sc_bundles>
